<compile_context>
chip_gen: v7x
topology: tpu7x:2x2x1
jax: 0.10.2.dev20260603
libtpu: 0.0.44.dev20260713+nightly
codegen_flags: <defaults>
</compile_context>

<pallas_src>
import functools

import jax
import jax.numpy as jnp
from jax import lax
from jax.experimental import pallas as pl
from jax.experimental.pallas import tpu as pltpu
from jax.experimental.pallas import tpu_sc as plsc

VOCAB = 1000
EMB = 16
B, L = 4096, 20
N = B * L

_NC, _NS = 2, 16
_NW = _NC * _NS
_B_PER_W = B // _NW

_SC_MESH = plsc.VectorSubcoreMesh(core_axis_name="c", subcore_axis_name="s")


@functools.partial(
    pl.kernel,
    out_type=jax.ShapeDtypeStruct((L, EMB // 8, _NW, 8, _B_PER_W), jnp.float32),
    mesh=_SC_MESH,
    scratch_types=[
        pltpu.VMEM((L, _B_PER_W), jnp.int32),
        pltpu.VMEM((VOCAB, EMB), jnp.float32),
        pltpu.VMEM((L, EMB // 8, 8, _B_PER_W), jnp.float32),
        pltpu.SemaphoreType.DMA,
    ],
    compiler_params=pltpu.CompilerParams(
        use_tc_tiling_on_sc=False,
        needs_layout_passes=False,
        disable_bounds_checks=True,
    ),
)
def _sc_gather_emb(table_hbm, xt_hbm, emb_hbm, idx_v, tab_v, trans_v, wsem):
    wid = lax.axis_index("s") * _NC + lax.axis_index("c")
    b0 = wid * _B_PER_W
    pltpu.sync_copy(xt_hbm.at[:, pl.ds(b0, _B_PER_W)], idx_v)
    pltpu.sync_copy(table_hbm, tab_v)

    def body(l, _):
        for k in range(_B_PER_W // 16):
            idxv = idx_v[l, pl.ds(k * 16, 16)]
            for e in range(EMB):
                col = jnp.full((16,), e, jnp.int32)
                vals = plsc.load_gather(tab_v, [idxv, col])
                trans_v[l, e // 8, e % 8, pl.ds(k * 16, 16)] = vals
        return 0

    lax.fori_loop(0, L, body, 0)
    pltpu.async_copy(
        trans_v, emb_hbm.at[:, :, wid], wsem
    ).wait()


_BT = 2048


def _proj_body(w_ref, b_ref, emb_ref, out_ref):
    e = emb_ref[0]
    m = lax.dot_general(
        w_ref[...], e, (((0,), (0,)), ((), ())),
        preferred_element_type=jnp.float32,
    )
    out_ref[0] = m + b_ref[...]


def _tc_project(W, b2, emb3):
    grid = (L, B // _BT)
    return pl.pallas_call(
        _proj_body,
        grid=grid,
        in_specs=[
            pl.BlockSpec((EMB, VOCAB), lambda l, j: (0, 0)),
            pl.BlockSpec((VOCAB, 1), lambda l, j: (0, 0)),
            pl.BlockSpec((1, EMB, _BT), lambda l, j: (l, 0, j)),
        ],
        out_specs=pl.BlockSpec((1, VOCAB, _BT), lambda l, j: (l, 0, j)),
        out_shape=jax.ShapeDtypeStruct((L, VOCAB, B), jnp.float32),
    )(W, b2, emb3)


def kernel(x, table, W, b):
    xt = x.astype(jnp.int32).T
    emb5 = _sc_gather_emb(table, xt)
    emb3 = jnp.transpose(emb5, (0, 1, 3, 2, 4)).reshape(L, EMB, B)
    outT = _tc_project(W, b.reshape(VOCAB, 1), emb3)
    return jnp.transpose(outT, (2, 0, 1))

# --- scband reference (transcript-rebuilt; emitter-appended) ---
"""Pipeline reference for scband-tiny-char-model-28690381538029 (READ-ONLY COPY).

The authoritative reference and input builder live on the scoring server;
editing this copy changes nothing except your own understanding.
"""

import jax, jax.numpy as jnp
import numpy as np

VOCAB = 1000
EMB = 16
B, L = 4096, 20

def setup_inputs(seed: int = 0) -> dict:
    key = jax.random.key(seed)
    k1, k2, k3, k4 = jax.random.split(key, 4)
    x = jax.random.randint(k1, (B, L), 0, VOCAB, dtype=jnp.int64 if jax.config.jax_enable_x64 else jnp.int32)
    table = jax.random.normal(k2, (VOCAB, EMB), dtype=jnp.float32)
    W = jax.random.normal(k3, (EMB, VOCAB), dtype=jnp.float32) * (1.0 / np.sqrt(EMB))
    b = jax.random.normal(k4, (VOCAB,), dtype=jnp.float32) * 0.01
    return {"x": x, "table": table, "W": W, "b": b}

def reference(x, table, W, b):
    # nn.Embedding lookup -> gather rows
    emb = jnp.take(table, x, axis=0)            # [B, L, EMB]
    # nn.Linear(16, vocab)
    out = jnp.einsum('ble,ev->blv', emb, W) + b  # [B, L, VOCAB]
    return out

if __name__ == "__main__":
    import jax
    _d = setup_inputs()
    print(jax.jit(kernel)(*tuple(_d.values())))

</pallas_src>

<mosaic_0001>
#map = affine_map<(d0, d1) -> (0, 0)>
#map1 = affine_map<(d0, d1) -> (0, 0, 0, 0, 0)>
module attributes {stable_mosaic.version = 14 : i64} {
  func.func @_sc_gather_emb(%arg0: i32, %arg1: i32, %arg2: memref<1000x16xf32, #tpu.memory_space<hbm>>, %arg3: memref<20x4096xi32, #tpu.memory_space<hbm>>, %arg4: memref<20x2x32x8x128xf32, #tpu.memory_space<hbm>>, %arg5: memref<20x128xi32, #tpu.memory_space<vmem>>, %arg6: memref<1000x16xf32, #tpu.memory_space<vmem>>, %arg7: memref<20x2x8x128xf32, #tpu.memory_space<vmem>>, %arg8: memref<!tpu.dma_semaphore, #tpu.memory_space<semaphore_mem>>) attributes {dimension_semantics = [#tpu.dimension_semantics<core_parallel>, #tpu.dimension_semantics<subcore_parallel>], iteration_bounds = array<i64: 2, 16>, scalar_prefetch = 0 : i64, scratch_operands = 4 : i64, tpu.core_type = #tpu.core_type<sc_vector_subcore>, window_params = [{transform_indices = #map}, {transform_indices = #map}, {transform_indices = #map1}]} {
    %mul3A = arith.constant 2 : i32
    %mul3A_0 = arith.muli %arg1, %mul3A : i32
    %add3A = arith.addi %mul3A_0, %arg0 : i32
    %mul3A_1 = arith.constant 128 : i32
    %mul3A_2 = arith.muli %add3A, %mul3A_1 : i32
    "tpu.region"() ({
      %run_scoped3A = tpu.sem_alloc : memref<!tpu.dma_semaphore, #tpu.memory_space<semaphore_mem>>
      %dma_start3A_31 = arith.constant 0 : i32
      %dma_start3A_32 = tpu.memref_slice %arg3[%dma_start3A_31, %mul3A_2] : memref<20x4096xi32, #tpu.memory_space<hbm>> -> memref<20x128xi32, #tpu.memory_space<hbm>>
      %dma_start3A_33 = arith.constant 0 : i32
      %dma_start3A_34 = tpu.memref_slice %arg3[%dma_start3A_33, %mul3A_2] : memref<20x4096xi32, #tpu.memory_space<hbm>> -> memref<20x128xi32, #tpu.memory_space<hbm>>
      tpu.enqueue_dma source(%dma_start3A_34 : memref<20x128xi32, #tpu.memory_space<hbm>>) target(%arg5 : memref<20x128xi32, #tpu.memory_space<vmem>>) target_semaphore(%run_scoped3A : memref<!tpu.dma_semaphore, #tpu.memory_space<semaphore_mem>>)
      %dma_wait3A_35 = arith.constant 0 : i32
      %dma_wait3A_36 = tpu.memref_slice %arg3[%dma_wait3A_35, %mul3A_2] : memref<20x4096xi32, #tpu.memory_space<hbm>> -> memref<20x128xi32, #tpu.memory_space<hbm>>
      %dma_wait3A_37 = arith.constant 0 : i32
      %dma_wait3A_38 = tpu.memref_slice %arg3[%dma_wait3A_37, %mul3A_2] : memref<20x4096xi32, #tpu.memory_space<hbm>> -> memref<20x128xi32, #tpu.memory_space<hbm>>
      tpu.wait_dma2 semaphore(%run_scoped3A : memref<!tpu.dma_semaphore, #tpu.memory_space<semaphore_mem>>) src(%dma_wait3A_38 : memref<20x128xi32, #tpu.memory_space<hbm>>) dst(%arg5 : memref<20x128xi32, #tpu.memory_space<vmem>>)
      tpu.yield
    }) : () -> ()
    "tpu.region"() ({
      %run_scoped3A = tpu.sem_alloc : memref<!tpu.dma_semaphore, #tpu.memory_space<semaphore_mem>>
      tpu.enqueue_dma source(%arg2 : memref<1000x16xf32, #tpu.memory_space<hbm>>) target(%arg6 : memref<1000x16xf32, #tpu.memory_space<vmem>>) target_semaphore(%run_scoped3A : memref<!tpu.dma_semaphore, #tpu.memory_space<semaphore_mem>>)
      tpu.wait_dma2 semaphore(%run_scoped3A : memref<!tpu.dma_semaphore, #tpu.memory_space<semaphore_mem>>) src(%arg2 : memref<1000x16xf32, #tpu.memory_space<hbm>>) dst(%arg6 : memref<1000x16xf32, #tpu.memory_space<vmem>>)
      tpu.yield
    }) : () -> ()
    %scan3A = arith.constant 0 : i32
    %scan3A_3 = arith.constant 0 : i32
    %scan3A_4 = arith.constant 20 : i32
    %scan3A_5 = arith.addi %scan3A_3, %scan3A_4 : i32
    %scan3A_6 = arith.constant 1 : i32
    %scan3A_7 = scf.for %scan3A_31 = %scan3A_3 to %scan3A_5 step %scan3A_6 iter_args(%scan3A_32 = %scan3A) -> (i32)  : i32 {
      %get3A = arith.index_cast %scan3A_31 : i32 to index
      %get3A_33 = arith.constant 0 : index
      %get3A_34 = tpu.vector_load %arg5[%get3A, %get3A_33] {strides = array<i32>} : memref<20x128xi32, #tpu.memory_space<vmem>>, vector<16xi32>,
      %broadcast_in_dim3A = arith.constant 0 : i32
      %broadcast_in_dim3A_35 = vector.broadcast %broadcast_in_dim3A : i32 to vector<16xi32>
      %gather3A = tpu.vector_load_idx %arg6[%get3A_34, %broadcast_in_dim3A_35] : memref<1000x16xf32, #tpu.memory_space<vmem>>[vector<16xi32>, vector<16xi32>], vector<16xf32>,
      %swap3A = arith.constant 0 : i32
      %swap3A_36 = arith.constant 0 : i32
      %swap3A_37 = arith.index_cast %scan3A_31 : i32 to index
      %swap3A_38 = arith.index_cast %swap3A : i32 to index
      %swap3A_39 = arith.index_cast %swap3A_36 : i32 to index
      %swap3A_40 = arith.constant 0 : index
      %swap3A_41 = tpu.vector_load %arg7[%swap3A_37, %swap3A_38, %swap3A_39, %swap3A_40] {strides = array<i32>} : memref<20x2x8x128xf32, #tpu.memory_space<vmem>>, vector<16xf32>,
      tpu.vector_store %arg7[%swap3A_37, %swap3A_38, %swap3A_39, %swap3A_40], %gather3A {strides = array<i32>} : memref<20x2x8x128xf32, #tpu.memory_space<vmem>>, vector<16xf32>,
      %broadcast_in_dim3A_42 = arith.constant 1 : i32
      %broadcast_in_dim3A_43 = vector.broadcast %broadcast_in_dim3A_42 : i32 to vector<16xi32>
      %gather3A_44 = tpu.vector_load_idx %arg6[%get3A_34, %broadcast_in_dim3A_43] : memref<1000x16xf32, #tpu.memory_space<vmem>>[vector<16xi32>, vector<16xi32>], vector<16xf32>,
      %swap3A_45 = arith.constant 0 : i32
      %swap3A_46 = arith.constant 1 : i32
      %swap3A_47 = arith.index_cast %scan3A_31 : i32 to index
      %swap3A_48 = arith.index_cast %swap3A_45 : i32 to index
      %swap3A_49 = arith.index_cast %swap3A_46 : i32 to index
      %swap3A_50 = arith.constant 0 : index
      %swap3A_51 = tpu.vector_load %arg7[%swap3A_47, %swap3A_48, %swap3A_49, %swap3A_50] {strides = array<i32>} : memref<20x2x8x128xf32, #tpu.memory_space<vmem>>, vector<16xf32>,
      tpu.vector_store %arg7[%swap3A_47, %swap3A_48, %swap3A_49, %swap3A_50], %gather3A_44 {strides = array<i32>} : memref<20x2x8x128xf32, #tpu.memory_space<vmem>>, vector<16xf32>,
      %broadcast_in_dim3A_52 = arith.constant 2 : i32
      %broadcast_in_dim3A_53 = vector.broadcast %broadcast_in_dim3A_52 : i32 to vector<16xi32>
      %gather3A_54 = tpu.vector_load_idx %arg6[%get3A_34, %broadcast_in_dim3A_53] : memref<1000x16xf32, #tpu.memory_space<vmem>>[vector<16xi32>, vector<16xi32>], vector<16xf32>,
      %swap3A_55 = arith.constant 0 : i32
      %swap3A_56 = arith.constant 2 : i32
      %swap3A_57 = arith.index_cast %scan3A_31 : i32 to index
      %swap3A_58 = arith.index_cast %swap3A_55 : i32 to index
      %swap3A_59 = arith.index_cast %swap3A_56 : i32 to index
      %swap3A_60 = arith.constant 0 : index
      %swap3A_61 = tpu.vector_load %arg7[%swap3A_57, %swap3A_58, %swap3A_59, %swap3A_60] {strides = array<i32>} : memref<20x2x8x128xf32, #tpu.memory_space<vmem>>, vector<16xf32>,
      tpu.vector_store %arg7[%swap3A_57, %swap3A_58, %swap3A_59, %swap3A_60], %gather3A_54 {strides = array<i32>} : memref<20x2x8x128xf32, #tpu.memory_space<vmem>>, vector<16xf32>,
      %broadcast_in_dim3A_62 = arith.constant 3 : i32
      %broadcast_in_dim3A_63 = vector.broadcast %broadcast_in_dim3A_62 : i32 to vector<16xi32>
      %gather3A_64 = tpu.vector_load_idx %arg6[%get3A_34, %broadcast_in_dim3A_63] : memref<1000x16xf32, #tpu.memory_space<vmem>>[vector<16xi32>, vector<16xi32>], vector<16xf32>,
      %swap3A_65 = arith.constant 0 : i32
      %swap3A_66 = arith.constant 3 : i32
      %swap3A_67 = arith.index_cast %scan3A_31 : i32 to index
      %swap3A_68 = arith.index_cast %swap3A_65 : i32 to index
      %swap3A_69 = arith.index_cast %swap3A_66 : i32 to index
      %swap3A_70 = arith.constant 0 : index
      %swap3A_71 = tpu.vector_load %arg7[%swap3A_67, %swap3A_68, %swap3A_69, %swap3A_70] {strides = array<i32>} : memref<20x2x8x128xf32, #tpu.memory_space<vmem>>, vector<16xf32>,
      tpu.vector_store %arg7[%swap3A_67, %swap3A_68, %swap3A_69, %swap3A_70], %gather3A_64 {strides = array<i32>} : memref<20x2x8x128xf32, #tpu.memory_space<vmem>>, vector<16xf32>,
      %broadcast_in_dim3A_72 = arith.constant 4 : i32
      %broadcast_in_dim3A_73 = vector.broadcast %broadcast_in_dim3A_72 : i32 to vector<16xi32>
      %gather3A_74 = tpu.vector_load_idx %arg6[%get3A_34, %broadcast_in_dim3A_73] : memref<1000x16xf32, #tpu.memory_space<vmem>>[vector<16xi32>, vector<16xi32>], vector<16xf32>,
      %swap3A_75 = arith.constant 0 : i32
      %swap3A_76 = arith.constant 4 : i32
      %swap3A_77 = arith.index_cast %scan3A_31 : i32 to index
      %swap3A_78 = arith.index_cast %swap3A_75 : i32 to index
      %swap3A_79 = arith.index_cast %swap3A_76 : i32 to index
      %swap3A_80 = arith.constant 0 : index
      %swap3A_81 = tpu.vector_load %arg7[%swap3A_77, %swap3A_78, %swap3A_79, %swap3A_80] {strides = array<i32>} : memref<20x2x8x128xf32, #tpu.memory_space<vmem>>, vector<16xf32>,
      tpu.vector_store %arg7[%swap3A_77, %swap3A_78, %swap3A_79, %swap3A_80], %gather3A_74 {strides = array<i32>} : memref<20x2x8x128xf32, #tpu.memory_space<vmem>>, vector<16xf32>,
      %broadcast_in_dim3A_82 = arith.constant 5 : i32
      %broadcast_in_dim3A_83 = vector.broadcast %broadcast_in_dim3A_82 : i32 to vector<16xi32>
      %gather3A_84 = tpu.vector_load_idx %arg6[%get3A_34, %broadcast_in_dim3A_83] : memref<1000x16xf32, #tpu.memory_space<vmem>>[vector<16xi32>, vector<16xi32>], vector<16xf32>,
      %swap3A_85 = arith.constant 0 : i32
      %swap3A_86 = arith.constant 5 : i32
      %swap3A_87 = arith.index_cast %scan3A_31 : i32 to index
      %swap3A_88 = arith.index_cast %swap3A_85 : i32 to index
      %swap3A_89 = arith.index_cast %swap3A_86 : i32 to index
      %swap3A_90 = arith.constant 0 : index
      %swap3A_91 = tpu.vector_load %arg7[%swap3A_87, %swap3A_88, %swap3A_89, %swap3A_90] {strides = array<i32>} : memref<20x2x8x128xf32, #tpu.memory_space<vmem>>, vector<16xf32>,
      tpu.vector_store %arg7[%swap3A_87, %swap3A_88, %swap3A_89, %swap3A_90], %gather3A_84 {strides = array<i32>} : memref<20x2x8x128xf32, #tpu.memory_space<vmem>>, vector<16xf32>,
      %broadcast_in_dim3A_92 = arith.constant 6 : i32
      %broadcast_in_dim3A_93 = vector.broadcast %broadcast_in_dim3A_92 : i32 to vector<16xi32>
      %gather3A_94 = tpu.vector_load_idx %arg6[%get3A_34, %broadcast_in_dim3A_93] : memref<1000x16xf32, #tpu.memory_space<vmem>>[vector<16xi32>, vector<16xi32>], vector<16xf32>,
      %swap3A_95 = arith.constant 0 : i32
      %swap3A_96 = arith.constant 6 : i32
      %swap3A_97 = arith.index_cast %scan3A_31 : i32 to index
      %swap3A_98 = arith.index_cast %swap3A_95 : i32 to index
      %swap3A_99 = arith.index_cast %swap3A_96 : i32 to index
      %swap3A_100 = arith.constant 0 : index
      %swap3A_101 = tpu.vector_load %arg7[%swap3A_97, %swap3A_98, %swap3A_99, %swap3A_100] {strides = array<i32>} : memref<20x2x8x128xf32, #tpu.memory_space<vmem>>, vector<16xf32>,
      tpu.vector_store %arg7[%swap3A_97, %swap3A_98, %swap3A_99, %swap3A_100], %gather3A_94 {strides = array<i32>} : memref<20x2x8x128xf32, #tpu.memory_space<vmem>>, vector<16xf32>,
      %broadcast_in_dim3A_102 = arith.constant 7 : i32
      %broadcast_in_dim3A_103 = vector.broadcast %broadcast_in_dim3A_102 : i32 to vector<16xi32>
      %gather3A_104 = tpu.vector_load_idx %arg6[%get3A_34, %broadcast_in_dim3A_103] : memref<1000x16xf32, #tpu.memory_space<vmem>>[vector<16xi32>, vector<16xi32>], vector<16xf32>,
      %swap3A_105 = arith.constant 0 : i32
      %swap3A_106 = arith.constant 7 : i32
      %swap3A_107 = arith.index_cast %scan3A_31 : i32 to index
      %swap3A_108 = arith.index_cast %swap3A_105 : i32 to index
      %swap3A_109 = arith.index_cast %swap3A_106 : i32 to index
      %swap3A_110 = arith.constant 0 : index
      %swap3A_111 = tpu.vector_load %arg7[%swap3A_107, %swap3A_108, %swap3A_109, %swap3A_110] {strides = array<i32>} : memref<20x2x8x128xf32, #tpu.memory_space<vmem>>, vector<16xf32>,
      tpu.vector_store %arg7[%swap3A_107, %swap3A_108, %swap3A_109, %swap3A_110], %gather3A_104 {strides = array<i32>} : memref<20x2x8x128xf32, #tpu.memory_space<vmem>>, vector<16xf32>,
      %broadcast_in_dim3A_112 = arith.constant 8 : i32
      %broadcast_in_dim3A_113 = vector.broadcast %broadcast_in_dim3A_112 : i32 to vector<16xi32>
      %gather3A_114 = tpu.vector_load_idx %arg6[%get3A_34, %broadcast_in_dim3A_113] : memref<1000x16xf32, #tpu.memory_space<vmem>>[vector<16xi32>, vector<16xi32>], vector<16xf32>,
      %swap3A_115 = arith.constant 1 : i32
      %swap3A_116 = arith.constant 0 : i32
      %swap3A_117 = arith.index_cast %scan3A_31 : i32 to index
      %swap3A_118 = arith.index_cast %swap3A_115 : i32 to index
      %swap3A_119 = arith.index_cast %swap3A_116 : i32 to index
      %swap3A_120 = arith.constant 0 : index
      %swap3A_121 = tpu.vector_load %arg7[%swap3A_117, %swap3A_118, %swap3A_119, %swap3A_120] {strides = array<i32>} : memref<20x2x8x128xf32, #tpu.memory_space<vmem>>, vector<16xf32>,
      tpu.vector_store %arg7[%swap3A_117, %swap3A_118, %swap3A_119, %swap3A_120], %gather3A_114 {strides = array<i32>} : memref<20x2x8x128xf32, #tpu.memory_space<vmem>>, vector<16xf32>,
      %broadcast_in_dim3A_122 = arith.constant 9 : i32
      %broadcast_in_dim3A_123 = vector.broadcast %broadcast_in_dim3A_122 : i32 to vector<16xi32>
      %gather3A_124 = tpu.vector_load_idx %arg6[%get3A_34, %broadcast_in_dim3A_123] : memref<1000x16xf32, #tpu.memory_space<vmem>>[vector<16xi32>, vector<16xi32>], vector<16xf32>,
      %swap3A_125 = arith.constant 1 : i32
      %swap3A_126 = arith.constant 1 : i32
      %swap3A_127 = arith.index_cast %scan3A_31 : i32 to index
      %swap3A_128 = arith.index_cast %swap3A_125 : i32 to index
      %swap3A_129 = arith.index_cast %swap3A_126 : i32 to index
      %swap3A_130 = arith.constant 0 : index
      %swap3A_131 = tpu.vector_load %arg7[%swap3A_127, %swap3A_128, %swap3A_129, %swap3A_130] {strides = array<i32>} : memref<20x2x8x128xf32, #tpu.memory_space<vmem>>, vector<16xf32>,
      tpu.vector_store %arg7[%swap3A_127, %swap3A_128, %swap3A_129, %swap3A_130], %gather3A_124 {strides = array<i32>} : memref<20x2x8x128xf32, #tpu.memory_space<vmem>>, vector<16xf32>,
      %broadcast_in_dim3A_132 = arith.constant 10 : i32
      %broadcast_in_dim3A_133 = vector.broadcast %broadcast_in_dim3A_132 : i32 to vector<16xi32>
      %gather3A_134 = tpu.vector_load_idx %arg6[%get3A_34, %broadcast_in_dim3A_133] : memref<1000x16xf32, #tpu.memory_space<vmem>>[vector<16xi32>, vector<16xi32>], vector<16xf32>,
      %swap3A_135 = arith.constant 1 : i32
      %swap3A_136 = arith.constant 2 : i32
      %swap3A_137 = arith.index_cast %scan3A_31 : i32 to index
      %swap3A_138 = arith.index_cast %swap3A_135 : i32 to index
      %swap3A_139 = arith.index_cast %swap3A_136 : i32 to index
      %swap3A_140 = arith.constant 0 : index
      %swap3A_141 = tpu.vector_load %arg7[%swap3A_137, %swap3A_138, %swap3A_139, %swap3A_140] {strides = array<i32>} : memref<20x2x8x128xf32, #tpu.memory_space<vmem>>, vector<16xf32>,
      tpu.vector_store %arg7[%swap3A_137, %swap3A_138, %swap3A_139, %swap3A_140], %gather3A_134 {strides = array<i32>} : memref<20x2x8x128xf32, #tpu.memory_space<vmem>>, vector<16xf32>,
      %broadcast_in_dim3A_142 = arith.constant 11 : i32
      %broadcast_in_dim3A_143 = vector.broadcast %broadcast_in_dim3A_142 : i32 to vector<16xi32>
      %gather3A_144 = tpu.vector_load_idx %arg6[%get3A_34, %broadcast_in_dim3A_143] : memref<1000x16xf32, #tpu.memory_space<vmem>>[vector<16xi32>, vector<16xi32>], vector<16xf32>,
      %swap3A_145 = arith.constant 1 : i32
      %swap3A_146 = arith.constant 3 : i32
      %swap3A_147 = arith.index_cast %scan3A_31 : i32 to index
      %swap3A_148 = arith.index_cast %swap3A_145 : i32 to index
      %swap3A_149 = arith.index_cast %swap3A_146 : i32 to index
      %swap3A_150 = arith.constant 0 : index
      %swap3A_151 = tpu.vector_load %arg7[%swap3A_147, %swap3A_148, %swap3A_149, %swap3A_150] {strides = array<i32>} : memref<20x2x8x128xf32, #tpu.memory_space<vmem>>, vector<16xf32>,
      tpu.vector_store %arg7[%swap3A_147, %swap3A_148, %swap3A_149, %swap3A_150], %gather3A_144 {strides = array<i32>} : memref<20x2x8x128xf32, #tpu.memory_space<vmem>>, vector<16xf32>,
      %broadcast_in_dim3A_152 = arith.constant 12 : i32
      %broadcast_in_dim3A_153 = vector.broadcast %broadcast_in_dim3A_152 : i32 to vector<16xi32>
      %gather3A_154 = tpu.vector_load_idx %arg6[%get3A_34, %broadcast_in_dim3A_153] : memref<1000x16xf32, #tpu.memory_space<vmem>>[vector<16xi32>, vector<16xi32>], vector<16xf32>,
      %swap3A_155 = arith.constant 1 : i32
      %swap3A_156 = arith.constant 4 : i32
      %swap3A_157 = arith.index_cast %scan3A_31 : i32 to index
      %swap3A_158 = arith.index_cast %swap3A_155 : i32 to index
      %swap3A_159 = arith.index_cast %swap3A_156 : i32 to index
      %swap3A_160 = arith.constant 0 : index
      %swap3A_161 = tpu.vector_load %arg7[%swap3A_157, %swap3A_158, %swap3A_159, %swap3A_160] {strides = array<i32>} : memref<20x2x8x128xf32, #tpu.memory_space<vmem>>, vector<16xf32>,
      tpu.vector_store %arg7[%swap3A_157, %swap3A_158, %swap3A_159, %swap3A_160], %gather3A_154 {strides = array<i32>} : memref<20x2x8x128xf32, #tpu.memory_space<vmem>>, vector<16xf32>,
      %broadcast_in_dim3A_162 = arith.constant 13 : i32
      %broadcast_in_dim3A_163 = vector.broadcast %broadcast_in_dim3A_162 : i32 to vector<16xi32>
      %gather3A_164 = tpu.vector_load_idx %arg6[%get3A_34, %broadcast_in_dim3A_163] : memref<1000x16xf32, #tpu.memory_space<vmem>>[vector<16xi32>, vector<16xi32>], vector<16xf32>,
      %swap3A_165 = arith.constant 1 : i32
      %swap3A_166 = arith.constant 5 : i32
      %swap3A_167 = arith.index_cast %scan3A_31 : i32 to index
      %swap3A_168 = arith.index_cast %swap3A_165 : i32 to index
      %swap3A_169 = arith.index_cast %swap3A_166 : i32 to index
      %swap3A_170 = arith.constant 0 : index
      %swap3A_171 = tpu.vector_load %arg7[%swap3A_167, %swap3A_168, %swap3A_169, %swap3A_170] {strides = array<i32>} : memref<20x2x8x128xf32, #tpu.memory_space<vmem>>, vector<16xf32>,
      tpu.vector_store %arg7[%swap3A_167, %swap3A_168, %swap3A_169, %swap3A_170], %gather3A_164 {strides = array<i32>} : memref<20x2x8x128xf32, #tpu.memory_space<vmem>>, vector<16xf32>,
      %broadcast_in_dim3A_172 = arith.constant 14 : i32
      %broadcast_in_dim3A_173 = vector.broadcast %broadcast_in_dim3A_172 : i32 to vector<16xi32>
      %gather3A_174 = tpu.vector_load_idx %arg6[%get3A_34, %broadcast_in_dim3A_173] : memref<1000x16xf32, #tpu.memory_space<vmem>>[vector<16xi32>, vector<16xi32>], vector<16xf32>,
      %swap3A_175 = arith.constant 1 : i32
      %swap3A_176 = arith.constant 6 : i32
      %swap3A_177 = arith.index_cast %scan3A_31 : i32 to index
      %swap3A_178 = arith.index_cast %swap3A_175 : i32 to index
      %swap3A_179 = arith.index_cast %swap3A_176 : i32 to index
      %swap3A_180 = arith.constant 0 : index
      %swap3A_181 = tpu.vector_load %arg7[%swap3A_177, %swap3A_178, %swap3A_179, %swap3A_180] {strides = array<i32>} : memref<20x2x8x128xf32, #tpu.memory_space<vmem>>, vector<16xf32>,
      tpu.vector_store %arg7[%swap3A_177, %swap3A_178, %swap3A_179, %swap3A_180], %gather3A_174 {strides = array<i32>} : memref<20x2x8x128xf32, #tpu.memory_space<vmem>>, vector<16xf32>,
      %broadcast_in_dim3A_182 = arith.constant 15 : i32
      %broadcast_in_dim3A_183 = vector.broadcast %broadcast_in_dim3A_182 : i32 to vector<16xi32>
      %gather3A_184 = tpu.vector_load_idx %arg6[%get3A_34, %broadcast_in_dim3A_183] : memref<1000x16xf32, #tpu.memory_space<vmem>>[vector<16xi32>, vector<16xi32>], vector<16xf32>,
      %swap3A_185 = arith.constant 1 : i32
      %swap3A_186 = arith.constant 7 : i32
      %swap3A_187 = arith.index_cast %scan3A_31 : i32 to index
      %swap3A_188 = arith.index_cast %swap3A_185 : i32 to index
      %swap3A_189 = arith.index_cast %swap3A_186 : i32 to index
      %swap3A_190 = arith.constant 0 : index
      %swap3A_191 = tpu.vector_load %arg7[%swap3A_187, %swap3A_188, %swap3A_189, %swap3A_190] {strides = array<i32>} : memref<20x2x8x128xf32, #tpu.memory_space<vmem>>, vector<16xf32>,
      tpu.vector_store %arg7[%swap3A_187, %swap3A_188, %swap3A_189, %swap3A_190], %gather3A_184 {strides = array<i32>} : memref<20x2x8x128xf32, #tpu.memory_space<vmem>>, vector<16xf32>,
      %get3A_192 = arith.index_cast %scan3A_31 : i32 to index
      %get3A_193 = arith.constant 16 : index
      %get3A_194 = tpu.vector_load %arg5[%get3A_192, %get3A_193] {strides = array<i32>} : memref<20x128xi32, #tpu.memory_space<vmem>>, vector<16xi32>,
      %broadcast_in_dim3A_195 = arith.constant 0 : i32
      %broadcast_in_dim3A_196 = vector.broadcast %broadcast_in_dim3A_195 : i32 to vector<16xi32>
      %gather3A_197 = tpu.vector_load_idx %arg6[%get3A_194, %broadcast_in_dim3A_196] : memref<1000x16xf32, #tpu.memory_space<vmem>>[vector<16xi32>, vector<16xi32>], vector<16xf32>,
      %swap3A_198 = arith.constant 0 : i32
      %swap3A_199 = arith.constant 0 : i32
      %swap3A_200 = arith.index_cast %scan3A_31 : i32 to index
      %swap3A_201 = arith.index_cast %swap3A_198 : i32 to index
      %swap3A_202 = arith.index_cast %swap3A_199 : i32 to index
      %swap3A_203 = arith.constant 16 : index
      %swap3A_204 = tpu.vector_load %arg7[%swap3A_200, %swap3A_201, %swap3A_202, %swap3A_203] {strides = array<i32>} : memref<20x2x8x128xf32, #tpu.memory_space<vmem>>, vector<16xf32>,
      tpu.vector_store %arg7[%swap3A_200, %swap3A_201, %swap3A_202, %swap3A_203], %gather3A_197 {strides = array<i32>} : memref<20x2x8x128xf32, #tpu.memory_space<vmem>>, vector<16xf32>,
      %broadcast_in_dim3A_205 = arith.constant 1 : i32
      %broadcast_in_dim3A_206 = vector.broadcast %broadcast_in_dim3A_205 : i32 to vector<16xi32>
      %gather3A_207 = tpu.vector_load_idx %arg6[%get3A_194, %broadcast_in_dim3A_206] : memref<1000x16xf32, #tpu.memory_space<vmem>>[vector<16xi32>, vector<16xi32>], vector<16xf32>,
      %swap3A_208 = arith.constant 0 : i32
      %swap3A_209 = arith.constant 1 : i32
      %swap3A_210 = arith.index_cast %scan3A_31 : i32 to index
      %swap3A_211 = arith.index_cast %swap3A_208 : i32 to index
      %swap3A_212 = arith.index_cast %swap3A_209 : i32 to index
      %swap3A_213 = arith.constant 16 : index
      %swap3A_214 = tpu.vector_load %arg7[%swap3A_210, %swap3A_211, %swap3A_212, %swap3A_213] {strides = array<i32>} : memref<20x2x8x128xf32, #tpu.memory_space<vmem>>, vector<16xf32>,
      tpu.vector_store %arg7[%swap3A_210, %swap3A_211, %swap3A_212, %swap3A_213], %gather3A_207 {strides = array<i32>} : memref<20x2x8x128xf32, #tpu.memory_space<vmem>>, vector<16xf32>,
      %broadcast_in_dim3A_215 = arith.constant 2 : i32
      %broadcast_in_dim3A_216 = vector.broadcast %broadcast_in_dim3A_215 : i32 to vector<16xi32>
      %gather3A_217 = tpu.vector_load_idx %arg6[%get3A_194, %broadcast_in_dim3A_216] : memref<1000x16xf32, #tpu.memory_space<vmem>>[vector<16xi32>, vector<16xi32>], vector<16xf32>,
      %swap3A_218 = arith.constant 0 : i32
      %swap3A_219 = arith.constant 2 : i32
      %swap3A_220 = arith.index_cast %scan3A_31 : i32 to index
      %swap3A_221 = arith.index_cast %swap3A_218 : i32 to index
      %swap3A_222 = arith.index_cast %swap3A_219 : i32 to index
      %swap3A_223 = arith.constant 16 : index
      %swap3A_224 = tpu.vector_load %arg7[%swap3A_220, %swap3A_221, %swap3A_222, %swap3A_223] {strides = array<i32>} : memref<20x2x8x128xf32, #tpu.memory_space<vmem>>, vector<16xf32>,
      tpu.vector_store %arg7[%swap3A_220, %swap3A_221, %swap3A_222, %swap3A_223], %gather3A_217 {strides = array<i32>} : memref<20x2x8x128xf32, #tpu.memory_space<vmem>>, vector<16xf32>,
      %broadcast_in_dim3A_225 = arith.constant 3 : i32
      %broadcast_in_dim3A_226 = vector.broadcast %broadcast_in_dim3A_225 : i32 to vector<16xi32>
      %gather3A_227 = tpu.vector_load_idx %arg6[%get3A_194, %broadcast_in_dim3A_226] : memref<1000x16xf32, #tpu.memory_space<vmem>>[vector<16xi32>, vector<16xi32>], vector<16xf32>,
      %swap3A_228 = arith.constant 0 : i32
      %swap3A_229 = arith.constant 3 : i32
      %swap3A_230 = arith.index_cast %scan3A_31 : i32 to index
      %swap3A_231 = arith.index_cast %swap3A_228 : i32 to index
      %swap3A_232 = arith.index_cast %swap3A_229 : i32 to index
      %swap3A_233 = arith.constant 16 : index
      %swap3A_234 = tpu.vector_load %arg7[%swap3A_230, %swap3A_231, %swap3A_232, %swap3A_233] {strides = array<i32>} : memref<20x2x8x128xf32, #tpu.memory_space<vmem>>, vector<16xf32>,
      tpu.vector_store %arg7[%swap3A_230, %swap3A_231, %swap3A_232, %swap3A_233], %gather3A_227 {strides = array<i32>} : memref<20x2x8x128xf32, #tpu.memory_space<vmem>>, vector<16xf32>,
      %broadcast_in_dim3A_235 = arith.constant 4 : i32
      %broadcast_in_dim3A_236 = vector.broadcast %broadcast_in_dim3A_235 : i32 to vector<16xi32>
      %gather3A_237 = tpu.vector_load_idx %arg6[%get3A_194, %broadcast_in_dim3A_236] : memref<1000x16xf32, #tpu.memory_space<vmem>>[vector<16xi32>, vector<16xi32>], vector<16xf32>,
      %swap3A_238 = arith.constant 0 : i32
      %swap3A_239 = arith.constant 4 : i32
      %swap3A_240 = arith.index_cast %scan3A_31 : i32 to index
      %swap3A_241 = arith.index_cast %swap3A_238 : i32 to index
      %swap3A_242 = arith.index_cast %swap3A_239 : i32 to index
      %swap3A_243 = arith.constant 16 : index
      %swap3A_244 = tpu.vector_load %arg7[%swap3A_240, %swap3A_241, %swap3A_242, %swap3A_243] {strides = array<i32>} : memref<20x2x8x128xf32, #tpu.memory_space<vmem>>, vector<16xf32>,
      tpu.vector_store %arg7[%swap3A_240, %swap3A_241, %swap3A_242, %swap3A_243], %gather3A_237 {strides = array<i32>} : memref<20x2x8x128xf32, #tpu.memory_space<vmem>>, vector<16xf32>,
      %broadcast_in_dim3A_245 = arith.constant 5 : i32
      %broadcast_in_dim3A_246 = vector.broadcast %broadcast_in_dim3A_245 : i32 to vector<16xi32>
      %gather3A_247 = tpu.vector_load_idx %arg6[%get3A_194, %broadcast_in_dim3A_246] : memref<1000x16xf32, #tpu.memory_space<vmem>>[vector<16xi32>, vector<16xi32>], vector<16xf32>,
      %swap3A_248 = arith.constant 0 : i32
      %swap3A_249 = arith.constant 5 : i32
      %swap3A_250 = arith.index_cast %scan3A_31 : i32 to index
      %swap3A_251 = arith.index_cast %swap3A_248 : i32 to index
      %swap3A_252 = arith.index_cast %swap3A_249 : i32 to index
      %swap3A_253 = arith.constant 16 : index
      %swap3A_254 = tpu.vector_load %arg7[%swap3A_250, %swap3A_251, %swap3A_252, %swap3A_253] {strides = array<i32>} : memref<20x2x8x128xf32, #tpu.memory_space<vmem>>, vector<16xf32>,
      tpu.vector_store %arg7[%swap3A_250, %swap3A_251, %swap3A_252, %swap3A_253], %gather3A_247 {strides = array<i32>} : memref<20x2x8x128xf32, #tpu.memory_space<vmem>>, vector<16xf32>,
      %broadcast_in_dim3A_255 = arith.constant 6 : i32
      %broadcast_in_dim3A_256 = vector.broadcast %broadcast_in_dim3A_255 : i32 to vector<16xi32>
      %gather3A_257 = tpu.vector_load_idx %arg6[%get3A_194, %broadcast_in_dim3A_256] : memref<1000x16xf32, #tpu.memory_space<vmem>>[vector<16xi32>, vector<16xi32>], vector<16xf32>,
      %swap3A_258 = arith.constant 0 : i32
      %swap3A_259 = arith.constant 6 : i32
      %swap3A_260 = arith.index_cast %scan3A_31 : i32 to index
      %swap3A_261 = arith.index_cast %swap3A_258 : i32 to index
      %swap3A_262 = arith.index_cast %swap3A_259 : i32 to index
      %swap3A_263 = arith.constant 16 : index
      %swap3A_264 = tpu.vector_load %arg7[%swap3A_260, %swap3A_261, %swap3A_262, %swap3A_263] {strides = array<i32>} : memref<20x2x8x128xf32, #tpu.memory_space<vmem>>, vector<16xf32>,
      tpu.vector_store %arg7[%swap3A_260, %swap3A_261, %swap3A_262, %swap3A_263], %gather3A_257 {strides = array<i32>} : memref<20x2x8x128xf32, #tpu.memory_space<vmem>>, vector<16xf32>,
      %broadcast_in_dim3A_265 = arith.constant 7 : i32
      %broadcast_in_dim3A_266 = vector.broadcast %broadcast_in_dim3A_265 : i32 to vector<16xi32>
      %gather3A_267 = tpu.vector_load_idx %arg6[%get3A_194, %broadcast_in_dim3A_266] : memref<1000x16xf32, #tpu.memory_space<vmem>>[vector<16xi32>, vector<16xi32>], vector<16xf32>,
      %swap3A_268 = arith.constant 0 : i32
      %swap3A_269 = arith.constant 7 : i32
      %swap3A_270 = arith.index_cast %scan3A_31 : i32 to index
      %swap3A_271 = arith.index_cast %swap3A_268 : i32 to index
      %swap3A_272 = arith.index_cast %swap3A_269 : i32 to index
      %swap3A_273 = arith.constant 16 : index
      %swap3A_274 = tpu.vector_load %arg7[%swap3A_270, %swap3A_271, %swap3A_272, %swap3A_273] {strides = array<i32>} : memref<20x2x8x128xf32, #tpu.memory_space<vmem>>, vector<16xf32>,
      tpu.vector_store %arg7[%swap3A_270, %swap3A_271, %swap3A_272, %swap3A_273], %gather3A_267 {strides = array<i32>} : memref<20x2x8x128xf32, #tpu.memory_space<vmem>>, vector<16xf32>,
      %broadcast_in_dim3A_275 = arith.constant 8 : i32
      %broadcast_in_dim3A_276 = vector.broadcast %broadcast_in_dim3A_275 : i32 to vector<16xi32>
      %gather3A_277 = tpu.vector_load_idx %arg6[%get3A_194, %broadcast_in_dim3A_276] : memref<1000x16xf32, #tpu.memory_space<vmem>>[vector<16xi32>, vector<16xi32>], vector<16xf32>,
      %swap3A_278 = arith.constant 1 : i32
      %swap3A_279 = arith.constant 0 : i32
      %swap3A_280 = arith.index_cast %scan3A_31 : i32 to index
      %swap3A_281 = arith.index_cast %swap3A_278 : i32 to index
      %swap3A_282 = arith.index_cast %swap3A_279 : i32 to index
      %swap3A_283 = arith.constant 16 : index
      %swap3A_284 = tpu.vector_load %arg7[%swap3A_280, %swap3A_281, %swap3A_282, %swap3A_283] {strides = array<i32>} : memref<20x2x8x128xf32, #tpu.memory_space<vmem>>, vector<16xf32>,
      tpu.vector_store %arg7[%swap3A_280, %swap3A_281, %swap3A_282, %swap3A_283], %gather3A_277 {strides = array<i32>} : memref<20x2x8x128xf32, #tpu.memory_space<vmem>>, vector<16xf32>,
      %broadcast_in_dim3A_285 = arith.constant 9 : i32
      %broadcast_in_dim3A_286 = vector.broadcast %broadcast_in_dim3A_285 : i32 to vector<16xi32>
      %gather3A_287 = tpu.vector_load_idx %arg6[%get3A_194, %broadcast_in_dim3A_286] : memref<1000x16xf32, #tpu.memory_space<vmem>>[vector<16xi32>, vector<16xi32>], vector<16xf32>,
      %swap3A_288 = arith.constant 1 : i32
      %swap3A_289 = arith.constant 1 : i32
      %swap3A_290 = arith.index_cast %scan3A_31 : i32 to index
      %swap3A_291 = arith.index_cast %swap3A_288 : i32 to index
      %swap3A_292 = arith.index_cast %swap3A_289 : i32 to index
      %swap3A_293 = arith.constant 16 : index
      %swap3A_294 = tpu.vector_load %arg7[%swap3A_290, %swap3A_291, %swap3A_292, %swap3A_293] {strides = array<i32>} : memref<20x2x8x128xf32, #tpu.memory_space<vmem>>, vector<16xf32>,
      tpu.vector_store %arg7[%swap3A_290, %swap3A_291, %swap3A_292, %swap3A_293], %gather3A_287 {strides = array<i32>} : memref<20x2x8x128xf32, #tpu.memory_space<vmem>>, vector<16xf32>,
      %broadcast_in_dim3A_295 = arith.constant 10 : i32
      %broadcast_in_dim3A_296 = vector.broadcast %broadcast_in_dim3A_295 : i32 to vector<16xi32>
      %gather3A_297 = tpu.vector_load_idx %arg6[%get3A_194, %broadcast_in_dim3A_296] : memref<1000x16xf32, #tpu.memory_space<vmem>>[vector<16xi32>, vector<16xi32>], vector<16xf32>,
      %swap3A_298 = arith.constant 1 : i32
      %swap3A_299 = arith.constant 2 : i32
      %swap3A_300 = arith.index_cast %scan3A_31 : i32 to index
      %swap3A_301 = arith.index_cast %swap3A_298 : i32 to index
      %swap3A_302 = arith.index_cast %swap3A_299 : i32 to index
      %swap3A_303 = arith.constant 16 : index
      %swap3A_304 = tpu.vector_load %arg7[%swap3A_300, %swap3A_301, %swap3A_302, %swap3A_303] {strides = array<i32>} : memref<20x2x8x128xf32, #tpu.memory_space<vmem>>, vector<16xf32>,
      tpu.vector_store %arg7[%swap3A_300, %swap3A_301, %swap3A_302, %swap3A_303], %gather3A_297 {strides = array<i32>} : memref<20x2x8x128xf32, #tpu.memory_space<vmem>>, vector<16xf32>,
      %broadcast_in_dim3A_305 = arith.constant 11 : i32
      %broadcast_in_dim3A_306 = vector.broadcast %broadcast_in_dim3A_305 : i32 to vector<16xi32>
      %gather3A_307 = tpu.vector_load_idx %arg6[%get3A_194, %broadcast_in_dim3A_306] : memref<1000x16xf32, #tpu.memory_space<vmem>>[vector<16xi32>, vector<16xi32>], vector<16xf32>,
      %swap3A_308 = arith.constant 1 : i32
      %swap3A_309 = arith.constant 3 : i32
      %swap3A_310 = arith.index_cast %scan3A_31 : i32 to index
      %swap3A_311 = arith.index_cast %swap3A_308 : i32 to index
      %swap3A_312 = arith.index_cast %swap3A_309 : i32 to index
      %swap3A_313 = arith.constant 16 : index
      %swap3A_314 = tpu.vector_load %arg7[%swap3A_310, %swap3A_311, %swap3A_312, %swap3A_313] {strides = array<i32>} : memref<20x2x8x128xf32, #tpu.memory_space<vmem>>, vector<16xf32>,
      tpu.vector_store %arg7[%swap3A_310, %swap3A_311, %swap3A_312, %swap3A_313], %gather3A_307 {strides = array<i32>} : memref<20x2x8x128xf32, #tpu.memory_space<vmem>>, vector<16xf32>,
      %broadcast_in_dim3A_315 = arith.constant 12 : i32
      %broadcast_in_dim3A_316 = vector.broadcast %broadcast_in_dim3A_315 : i32 to vector<16xi32>
      %gather3A_317 = tpu.vector_load_idx %arg6[%get3A_194, %broadcast_in_dim3A_316] : memref<1000x16xf32, #tpu.memory_space<vmem>>[vector<16xi32>, vector<16xi32>], vector<16xf32>,
      %swap3A_318 = arith.constant 1 : i32
      %swap3A_319 = arith.constant 4 : i32
      %swap3A_320 = arith.index_cast %scan3A_31 : i32 to index
      %swap3A_321 = arith.index_cast %swap3A_318 : i32 to index
      %swap3A_322 = arith.index_cast %swap3A_319 : i32 to index
      %swap3A_323 = arith.constant 16 : index
      %swap3A_324 = tpu.vector_load %arg7[%swap3A_320, %swap3A_321, %swap3A_322, %swap3A_323] {strides = array<i32>} : memref<20x2x8x128xf32, #tpu.memory_space<vmem>>, vector<16xf32>,
      tpu.vector_store %arg7[%swap3A_320, %swap3A_321, %swap3A_322, %swap3A_323], %gather3A_317 {strides = array<i32>} : memref<20x2x8x128xf32, #tpu.memory_space<vmem>>, vector<16xf32>,
      %broadcast_in_dim3A_325 = arith.constant 13 : i32
      %broadcast_in_dim3A_326 = vector.broadcast %broadcast_in_dim3A_325 : i32 to vector<16xi32>
      %gather3A_327 = tpu.vector_load_idx %arg6[%get3A_194, %broadcast_in_dim3A_326] : memref<1000x16xf32, #tpu.memory_space<vmem>>[vector<16xi32>, vector<16xi32>], vector<16xf32>,
      %swap3A_328 = arith.constant 1 : i32
      %swap3A_329 = arith.constant 5 : i32
      %swap3A_330 = arith.index_cast %scan3A_31 : i32 to index
      %swap3A_331 = arith.index_cast %swap3A_328 : i32 to index
      %swap3A_332 = arith.index_cast %swap3A_329 : i32 to index
      %swap3A_333 = arith.constant 16 : index
      %swap3A_334 = tpu.vector_load %arg7[%swap3A_330, %swap3A_331, %swap3A_332, %swap3A_333] {strides = array<i32>} : memref<20x2x8x128xf32, #tpu.memory_space<vmem>>, vector<16xf32>,
      tpu.vector_store %arg7[%swap3A_330, %swap3A_331, %swap3A_332, %swap3A_333], %gather3A_327 {strides = array<i32>} : memref<20x2x8x128xf32, #tpu.memory_space<vmem>>, vector<16xf32>,
      %broadcast_in_dim3A_335 = arith.constant 14 : i32
      %broadcast_in_dim3A_336 = vector.broadcast %broadcast_in_dim3A_335 : i32 to vector<16xi32>
      %gather3A_337 = tpu.vector_load_idx %arg6[%get3A_194, %broadcast_in_dim3A_336] : memref<1000x16xf32, #tpu.memory_space<vmem>>[vector<16xi32>, vector<16xi32>], vector<16xf32>,
      %swap3A_338 = arith.constant 1 : i32
      %swap3A_339 = arith.constant 6 : i32
      %swap3A_340 = arith.index_cast %scan3A_31 : i32 to index
      %swap3A_341 = arith.index_cast %swap3A_338 : i32 to index
      %swap3A_342 = arith.index_cast %swap3A_339 : i32 to index
      %swap3A_343 = arith.constant 16 : index
      %swap3A_344 = tpu.vector_load %arg7[%swap3A_340, %swap3A_341, %swap3A_342, %swap3A_343] {strides = array<i32>} : memref<20x2x8x128xf32, #tpu.memory_space<vmem>>, vector<16xf32>,
      tpu.vector_store %arg7[%swap3A_340, %swap3A_341, %swap3A_342, %swap3A_343], %gather3A_337 {strides = array<i32>} : memref<20x2x8x128xf32, #tpu.memory_space<vmem>>, vector<16xf32>,
      %broadcast_in_dim3A_345 = arith.constant 15 : i32
      %broadcast_in_dim3A_346 = vector.broadcast %broadcast_in_dim3A_345 : i32 to vector<16xi32>
      %gather3A_347 = tpu.vector_load_idx %arg6[%get3A_194, %broadcast_in_dim3A_346] : memref<1000x16xf32, #tpu.memory_space<vmem>>[vector<16xi32>, vector<16xi32>], vector<16xf32>,
      %swap3A_348 = arith.constant 1 : i32
      %swap3A_349 = arith.constant 7 : i32
      %swap3A_350 = arith.index_cast %scan3A_31 : i32 to index
      %swap3A_351 = arith.index_cast %swap3A_348 : i32 to index
      %swap3A_352 = arith.index_cast %swap3A_349 : i32 to index
      %swap3A_353 = arith.constant 16 : index
      %swap3A_354 = tpu.vector_load %arg7[%swap3A_350, %swap3A_351, %swap3A_352, %swap3A_353] {strides = array<i32>} : memref<20x2x8x128xf32, #tpu.memory_space<vmem>>, vector<16xf32>,
      tpu.vector_store %arg7[%swap3A_350, %swap3A_351, %swap3A_352, %swap3A_353], %gather3A_347 {strides = array<i32>} : memref<20x2x8x128xf32, #tpu.memory_space<vmem>>, vector<16xf32>,
      %get3A_355 = arith.index_cast %scan3A_31 : i32 to index
      %get3A_356 = arith.constant 32 : index
      %get3A_357 = tpu.vector_load %arg5[%get3A_355, %get3A_356] {strides = array<i32>} : memref<20x128xi32, #tpu.memory_space<vmem>>, vector<16xi32>,
      %broadcast_in_dim3A_358 = arith.constant 0 : i32
      %broadcast_in_dim3A_359 = vector.broadcast %broadcast_in_dim3A_358 : i32 to vector<16xi32>
      %gather3A_360 = tpu.vector_load_idx %arg6[%get3A_357, %broadcast_in_dim3A_359] : memref<1000x16xf32, #tpu.memory_space<vmem>>[vector<16xi32>, vector<16xi32>], vector<16xf32>,
      %swap3A_361 = arith.constant 0 : i32
      %swap3A_362 = arith.constant 0 : i32
      %swap3A_363 = arith.index_cast %scan3A_31 : i32 to index
      %swap3A_364 = arith.index_cast %swap3A_361 : i32 to index
      %swap3A_365 = arith.index_cast %swap3A_362 : i32 to index
      %swap3A_366 = arith.constant 32 : index
      %swap3A_367 = tpu.vector_load %arg7[%swap3A_363, %swap3A_364, %swap3A_365, %swap3A_366] {strides = array<i32>} : memref<20x2x8x128xf32, #tpu.memory_space<vmem>>, vector<16xf32>,
      tpu.vector_store %arg7[%swap3A_363, %swap3A_364, %swap3A_365, %swap3A_366], %gather3A_360 {strides = array<i32>} : memref<20x2x8x128xf32, #tpu.memory_space<vmem>>, vector<16xf32>,
      %broadcast_in_dim3A_368 = arith.constant 1 : i32
      %broadcast_in_dim3A_369 = vector.broadcast %broadcast_in_dim3A_368 : i32 to vector<16xi32>
      %gather3A_370 = tpu.vector_load_idx %arg6[%get3A_357, %broadcast_in_dim3A_369] : memref<1000x16xf32, #tpu.memory_space<vmem>>[vector<16xi32>, vector<16xi32>], vector<16xf32>,
      %swap3A_371 = arith.constant 0 : i32
      %swap3A_372 = arith.constant 1 : i32
      %swap3A_373 = arith.index_cast %scan3A_31 : i32 to index
      %swap3A_374 = arith.index_cast %swap3A_371 : i32 to index
      %swap3A_375 = arith.index_cast %swap3A_372 : i32 to index
      %swap3A_376 = arith.constant 32 : index
      %swap3A_377 = tpu.vector_load %arg7[%swap3A_373, %swap3A_374, %swap3A_375, %swap3A_376] {strides = array<i32>} : memref<20x2x8x128xf32, #tpu.memory_space<vmem>>, vector<16xf32>,
      tpu.vector_store %arg7[%swap3A_373, %swap3A_374, %swap3A_375, %swap3A_376], %gather3A_370 {strides = array<i32>} : memref<20x2x8x128xf32, #tpu.memory_space<vmem>>, vector<16xf32>,
      %broadcast_in_dim3A_378 = arith.constant 2 : i32
      %broadcast_in_dim3A_379 = vector.broadcast %broadcast_in_dim3A_378 : i32 to vector<16xi32>
      %gather3A_380 = tpu.vector_load_idx %arg6[%get3A_357, %broadcast_in_dim3A_379] : memref<1000x16xf32, #tpu.memory_space<vmem>>[vector<16xi32>, vector<16xi32>], vector<16xf32>,
      %swap3A_381 = arith.constant 0 : i32
      %swap3A_382 = arith.constant 2 : i32
      %swap3A_383 = arith.index_cast %scan3A_31 : i32 to index
      %swap3A_384 = arith.index_cast %swap3A_381 : i32 to index
      %swap3A_385 = arith.index_cast %swap3A_382 : i32 to index
      %swap3A_386 = arith.constant 32 : index
      %swap3A_387 = tpu.vector_load %arg7[%swap3A_383, %swap3A_384, %swap3A_385, %swap3A_386] {strides = array<i32>} : memref<20x2x8x128xf32, #tpu.memory_space<vmem>>, vector<16xf32>,
      tpu.vector_store %arg7[%swap3A_383, %swap3A_384, %swap3A_385, %swap3A_386], %gather3A_380 {strides = array<i32>} : memref<20x2x8x128xf32, #tpu.memory_space<vmem>>, vector<16xf32>,
      %broadcast_in_dim3A_388 = arith.constant 3 : i32
      %broadcast_in_dim3A_389 = vector.broadcast %broadcast_in_dim3A_388 : i32 to vector<16xi32>
      %gather3A_390 = tpu.vector_load_idx %arg6[%get3A_357, %broadcast_in_dim3A_389] : memref<1000x16xf32, #tpu.memory_space<vmem>>[vector<16xi32>, vector<16xi32>], vector<16xf32>,
      %swap3A_391 = arith.constant 0 : i32
      %swap3A_392 = arith.constant 3 : i32
      %swap3A_393 = arith.index_cast %scan3A_31 : i32 to index
      %swap3A_394 = arith.index_cast %swap3A_391 : i32 to index
      %swap3A_395 = arith.index_cast %swap3A_392 : i32 to index
      %swap3A_396 = arith.constant 32 : index
      %swap3A_397 = tpu.vector_load %arg7[%swap3A_393, %swap3A_394, %swap3A_395, %swap3A_396] {strides = array<i32>} : memref<20x2x8x128xf32, #tpu.memory_space<vmem>>, vector<16xf32>,
      tpu.vector_store %arg7[%swap3A_393, %swap3A_394, %swap3A_395, %swap3A_396], %gather3A_390 {strides = array<i32>} : memref<20x2x8x128xf32, #tpu.memory_space<vmem>>, vector<16xf32>,
      %broadcast_in_dim3A_398 = arith.constant 4 : i32
      %broadcast_in_dim3A_399 = vector.broadcast %broadcast_in_dim3A_398 : i32 to vector<16xi32>
      %gather3A_400 = tpu.vector_load_idx %arg6[%get3A_357, %broadcast_in_dim3A_399] : memref<1000x16xf32, #tpu.memory_space<vmem>>[vector<16xi32>, vector<16xi32>], vector<16xf32>,
      %swap3A_401 = arith.constant 0 : i32
      %swap3A_402 = arith.constant 4 : i32
      %swap3A_403 = arith.index_cast %scan3A_31 : i32 to index
      %swap3A_404 = arith.index_cast %swap3A_401 : i32 to index
      %swap3A_405 = arith.index_cast %swap3A_402 : i32 to index
      %swap3A_406 = arith.constant 32 : index
      %swap3A_407 = tpu.vector_load %arg7[%swap3A_403, %swap3A_404, %swap3A_405, %swap3A_406] {strides = array<i32>} : memref<20x2x8x128xf32, #tpu.memory_space<vmem>>, vector<16xf32>,
      tpu.vector_store %arg7[%swap3A_403, %swap3A_404, %swap3A_405, %swap3A_406], %gather3A_400 {strides = array<i32>} : memref<20x2x8x128xf32, #tpu.memory_space<vmem>>, vector<16xf32>,
      %broadcast_in_dim3A_408 = arith.constant 5 : i32
      %broadcast_in_dim3A_409 = vector.broadcast %broadcast_in_dim3A_408 : i32 to vector<16xi32>
      %gather3A_410 = tpu.vector_load_idx %arg6[%get3A_357, %broadcast_in_dim3A_409] : memref<1000x16xf32, #tpu.memory_space<vmem>>[vector<16xi32>, vector<16xi32>], vector<16xf32>,
      %swap3A_411 = arith.constant 0 : i32
      %swap3A_412 = arith.constant 5 : i32
      %swap3A_413 = arith.index_cast %scan3A_31 : i32 to index
      %swap3A_414 = arith.index_cast %swap3A_411 : i32 to index
      %swap3A_415 = arith.index_cast %swap3A_412 : i32 to index
      %swap3A_416 = arith.constant 32 : index
      %swap3A_417 = tpu.vector_load %arg7[%swap3A_413, %swap3A_414, %swap3A_415, %swap3A_416] {strides = array<i32>} : memref<20x2x8x128xf32, #tpu.memory_space<vmem>>, vector<16xf32>,
      tpu.vector_store %arg7[%swap3A_413, %swap3A_414, %swap3A_415, %swap3A_416], %gather3A_410 {strides = array<i32>} : memref<20x2x8x128xf32, #tpu.memory_space<vmem>>, vector<16xf32>,
      %broadcast_in_dim3A_418 = arith.constant 6 : i32
      %broadcast_in_dim3A_419 = vector.broadcast %broadcast_in_dim3A_418 : i32 to vector<16xi32>
      %gather3A_420 = tpu.vector_load_idx %arg6[%get3A_357, %broadcast_in_dim3A_419] : memref<1000x16xf32, #tpu.memory_space<vmem>>[vector<16xi32>, vector<16xi32>], vector<16xf32>,
      %swap3A_421 = arith.constant 0 : i32
      %swap3A_422 = arith.constant 6 : i32
      %swap3A_423 = arith.index_cast %scan3A_31 : i32 to index
      %swap3A_424 = arith.index_cast %swap3A_421 : i32 to index
      %swap3A_425 = arith.index_cast %swap3A_422 : i32 to index
      %swap3A_426 = arith.constant 32 : index
      %swap3A_427 = tpu.vector_load %arg7[%swap3A_423, %swap3A_424, %swap3A_425, %swap3A_426] {strides = array<i32>} : memref<20x2x8x128xf32, #tpu.memory_space<vmem>>, vector<16xf32>,
      tpu.vector_store %arg7[%swap3A_423, %swap3A_424, %swap3A_425, %swap3A_426], %gather3A_420 {strides = array<i32>} : memref<20x2x8x128xf32, #tpu.memory_space<vmem>>, vector<16xf32>,
      %broadcast_in_dim3A_428 = arith.constant 7 : i32
      %broadcast_in_dim3A_429 = vector.broadcast %broadcast_in_dim3A_428 : i32 to vector<16xi32>
      %gather3A_430 = tpu.vector_load_idx %arg6[%get3A_357, %broadcast_in_dim3A_429] : memref<1000x16xf32, #tpu.memory_space<vmem>>[vector<16xi32>, vector<16xi32>], vector<16xf32>,
      %swap3A_431 = arith.constant 0 : i32
      %swap3A_432 = arith.constant 7 : i32
      %swap3A_433 = arith.index_cast %scan3A_31 : i32 to index
      %swap3A_434 = arith.index_cast %swap3A_431 : i32 to index
      %swap3A_435 = arith.index_cast %swap3A_432 : i32 to index
      %swap3A_436 = arith.constant 32 : index
      %swap3A_437 = tpu.vector_load %arg7[%swap3A_433, %swap3A_434, %swap3A_435, %swap3A_436] {strides = array<i32>} : memref<20x2x8x128xf32, #tpu.memory_space<vmem>>, vector<16xf32>,
      tpu.vector_store %arg7[%swap3A_433, %swap3A_434, %swap3A_435, %swap3A_436], %gather3A_430 {strides = array<i32>} : memref<20x2x8x128xf32, #tpu.memory_space<vmem>>, vector<16xf32>,
      %broadcast_in_dim3A_438 = arith.constant 8 : i32
      %broadcast_in_dim3A_439 = vector.broadcast %broadcast_in_dim3A_438 : i32 to vector<16xi32>
      %gather3A_440 = tpu.vector_load_idx %arg6[%get3A_357, %broadcast_in_dim3A_439] : memref<1000x16xf32, #tpu.memory_space<vmem>>[vector<16xi32>, vector<16xi32>], vector<16xf32>,
      %swap3A_441 = arith.constant 1 : i32
      %swap3A_442 = arith.constant 0 : i32
      %swap3A_443 = arith.index_cast %scan3A_31 : i32 to index
      %swap3A_444 = arith.index_cast %swap3A_441 : i32 to index
      %swap3A_445 = arith.index_cast %swap3A_442 : i32 to index
      %swap3A_446 = arith.constant 32 : index
      %swap3A_447 = tpu.vector_load %arg7[%swap3A_443, %swap3A_444, %swap3A_445, %swap3A_446] {strides = array<i32>} : memref<20x2x8x128xf32, #tpu.memory_space<vmem>>, vector<16xf32>,
      tpu.vector_store %arg7[%swap3A_443, %swap3A_444, %swap3A_445, %swap3A_446], %gather3A_440 {strides = array<i32>} : memref<20x2x8x128xf32, #tpu.memory_space<vmem>>, vector<16xf32>,
      %broadcast_in_dim3A_448 = arith.constant 9 : i32
      %broadcast_in_dim3A_449 = vector.broadcast %broadcast_in_dim3A_448 : i32 to vector<16xi32>
      %gather3A_450 = tpu.vector_load_idx %arg6[%get3A_357, %broadcast_in_dim3A_449] : memref<1000x16xf32, #tpu.memory_space<vmem>>[vector<16xi32>, vector<16xi32>], vector<16xf32>,
      %swap3A_451 = arith.constant 1 : i32
      %swap3A_452 = arith.constant 1 : i32
      %swap3A_453 = arith.index_cast %scan3A_31 : i32 to index
      %swap3A_454 = arith.index_cast %swap3A_451 : i32 to index
      %swap3A_455 = arith.index_cast %swap3A_452 : i32 to index
      %swap3A_456 = arith.constant 32 : index
      %swap3A_457 = tpu.vector_load %arg7[%swap3A_453, %swap3A_454, %swap3A_455, %swap3A_456] {strides = array<i32>} : memref<20x2x8x128xf32, #tpu.memory_space<vmem>>, vector<16xf32>,
      tpu.vector_store %arg7[%swap3A_453, %swap3A_454, %swap3A_455, %swap3A_456], %gather3A_450 {strides = array<i32>} : memref<20x2x8x128xf32, #tpu.memory_space<vmem>>, vector<16xf32>,
      %broadcast_in_dim3A_458 = arith.constant 10 : i32
      %broadcast_in_dim3A_459 = vector.broadcast %broadcast_in_dim3A_458 : i32 to vector<16xi32>
      %gather3A_460 = tpu.vector_load_idx %arg6[%get3A_357, %broadcast_in_dim3A_459] : memref<1000x16xf32, #tpu.memory_space<vmem>>[vector<16xi32>, vector<16xi32>], vector<16xf32>,
      %swap3A_461 = arith.constant 1 : i32
      %swap3A_462 = arith.constant 2 : i32
      %swap3A_463 = arith.index_cast %scan3A_31 : i32 to index
      %swap3A_464 = arith.index_cast %swap3A_461 : i32 to index
      %swap3A_465 = arith.index_cast %swap3A_462 : i32 to index
      %swap3A_466 = arith.constant 32 : index
      %swap3A_467 = tpu.vector_load %arg7[%swap3A_463, %swap3A_464, %swap3A_465, %swap3A_466] {strides = array<i32>} : memref<20x2x8x128xf32, #tpu.memory_space<vmem>>, vector<16xf32>,
      tpu.vector_store %arg7[%swap3A_463, %swap3A_464, %swap3A_465, %swap3A_466], %gather3A_460 {strides = array<i32>} : memref<20x2x8x128xf32, #tpu.memory_space<vmem>>, vector<16xf32>,
      %broadcast_in_dim3A_468 = arith.constant 11 : i32
      %broadcast_in_dim3A_469 = vector.broadcast %broadcast_in_dim3A_468 : i32 to vector<16xi32>
      %gather3A_470 = tpu.vector_load_idx %arg6[%get3A_357, %broadcast_in_dim3A_469] : memref<1000x16xf32, #tpu.memory_space<vmem>>[vector<16xi32>, vector<16xi32>], vector<16xf32>,
      %swap3A_471 = arith.constant 1 : i32
      %swap3A_472 = arith.constant 3 : i32
      %swap3A_473 = arith.index_cast %scan3A_31 : i32 to index
      %swap3A_474 = arith.index_cast %swap3A_471 : i32 to index
      %swap3A_475 = arith.index_cast %swap3A_472 : i32 to index
      %swap3A_476 = arith.constant 32 : index
      %swap3A_477 = tpu.vector_load %arg7[%swap3A_473, %swap3A_474, %swap3A_475, %swap3A_476] {strides = array<i32>} : memref<20x2x8x128xf32, #tpu.memory_space<vmem>>, vector<16xf32>,
      tpu.vector_store %arg7[%swap3A_473, %swap3A_474, %swap3A_475, %swap3A_476], %gather3A_470 {strides = array<i32>} : memref<20x2x8x128xf32, #tpu.memory_space<vmem>>, vector<16xf32>,
      %broadcast_in_dim3A_478 = arith.constant 12 : i32
      %broadcast_in_dim3A_479 = vector.broadcast %broadcast_in_dim3A_478 : i32 to vector<16xi32>
      %gather3A_480 = tpu.vector_load_idx %arg6[%get3A_357, %broadcast_in_dim3A_479] : memref<1000x16xf32, #tpu.memory_space<vmem>>[vector<16xi32>, vector<16xi32>], vector<16xf32>,
      %swap3A_481 = arith.constant 1 : i32
      %swap3A_482 = arith.constant 4 : i32
      %swap3A_483 = arith.index_cast %scan3A_31 : i32 to index
      %swap3A_484 = arith.index_cast %swap3A_481 : i32 to index
      %swap3A_485 = arith.index_cast %swap3A_482 : i32 to index
      %swap3A_486 = arith.constant 32 : index
      %swap3A_487 = tpu.vector_load %arg7[%swap3A_483, %swap3A_484, %swap3A_485, %swap3A_486] {strides = array<i32>} : memref<20x2x8x128xf32, #tpu.memory_space<vmem>>, vector<16xf32>,
      tpu.vector_store %arg7[%swap3A_483, %swap3A_484, %swap3A_485, %swap3A_486], %gather3A_480 {strides = array<i32>} : memref<20x2x8x128xf32, #tpu.memory_space<vmem>>, vector<16xf32>,
      %broadcast_in_dim3A_488 = arith.constant 13 : i32
      %broadcast_in_dim3A_489 = vector.broadcast %broadcast_in_dim3A_488 : i32 to vector<16xi32>
      %gather3A_490 = tpu.vector_load_idx %arg6[%get3A_357, %broadcast_in_dim3A_489] : memref<1000x16xf32, #tpu.memory_space<vmem>>[vector<16xi32>, vector<16xi32>], vector<16xf32>,
      %swap3A_491 = arith.constant 1 : i32
      %swap3A_492 = arith.constant 5 : i32
      %swap3A_493 = arith.index_cast %scan3A_31 : i32 to index
      %swap3A_494 = arith.index_cast %swap3A_491 : i32 to index
      %swap3A_495 = arith.index_cast %swap3A_492 : i32 to index
      %swap3A_496 = arith.constant 32 : index
      %swap3A_497 = tpu.vector_load %arg7[%swap3A_493, %swap3A_494, %swap3A_495, %swap3A_496] {strides = array<i32>} : memref<20x2x8x128xf32, #tpu.memory_space<vmem>>, vector<16xf32>,
      tpu.vector_store %arg7[%swap3A_493, %swap3A_494, %swap3A_495, %swap3A_496], %gather3A_490 {strides = array<i32>} : memref<20x2x8x128xf32, #tpu.memory_space<vmem>>, vector<16xf32>,
      %broadcast_in_dim3A_498 = arith.constant 14 : i32
      %broadcast_in_dim3A_499 = vector.broadcast %broadcast_in_dim3A_498 : i32 to vector<16xi32>
      %gather3A_500 = tpu.vector_load_idx %arg6[%get3A_357, %broadcast_in_dim3A_499] : memref<1000x16xf32, #tpu.memory_space<vmem>>[vector<16xi32>, vector<16xi32>], vector<16xf32>,
      %swap3A_501 = arith.constant 1 : i32
      %swap3A_502 = arith.constant 6 : i32
      %swap3A_503 = arith.index_cast %scan3A_31 : i32 to index
      %swap3A_504 = arith.index_cast %swap3A_501 : i32 to index
      %swap3A_505 = arith.index_cast %swap3A_502 : i32 to index
      %swap3A_506 = arith.constant 32 : index
      %swap3A_507 = tpu.vector_load %arg7[%swap3A_503, %swap3A_504, %swap3A_505, %swap3A_506] {strides = array<i32>} : memref<20x2x8x128xf32, #tpu.memory_space<vmem>>, vector<16xf32>,
      tpu.vector_store %arg7[%swap3A_503, %swap3A_504, %swap3A_505, %swap3A_506], %gather3A_500 {strides = array<i32>} : memref<20x2x8x128xf32, #tpu.memory_space<vmem>>, vector<16xf32>,
      %broadcast_in_dim3A_508 = arith.constant 15 : i32
      %broadcast_in_dim3A_509 = vector.broadcast %broadcast_in_dim3A_508 : i32 to vector<16xi32>
      %gather3A_510 = tpu.vector_load_idx %arg6[%get3A_357, %broadcast_in_dim3A_509] : memref<1000x16xf32, #tpu.memory_space<vmem>>[vector<16xi32>, vector<16xi32>], vector<16xf32>,
      %swap3A_511 = arith.constant 1 : i32
      %swap3A_512 = arith.constant 7 : i32
      %swap3A_513 = arith.index_cast %scan3A_31 : i32 to index
      %swap3A_514 = arith.index_cast %swap3A_511 : i32 to index
      %swap3A_515 = arith.index_cast %swap3A_512 : i32 to index
      %swap3A_516 = arith.constant 32 : index
      %swap3A_517 = tpu.vector_load %arg7[%swap3A_513, %swap3A_514, %swap3A_515, %swap3A_516] {strides = array<i32>} : memref<20x2x8x128xf32, #tpu.memory_space<vmem>>, vector<16xf32>,
      tpu.vector_store %arg7[%swap3A_513, %swap3A_514, %swap3A_515, %swap3A_516], %gather3A_510 {strides = array<i32>} : memref<20x2x8x128xf32, #tpu.memory_space<vmem>>, vector<16xf32>,
      %get3A_518 = arith.index_cast %scan3A_31 : i32 to index
      %get3A_519 = arith.constant 48 : index
      %get3A_520 = tpu.vector_load %arg5[%get3A_518, %get3A_519] {strides = array<i32>} : memref<20x128xi32, #tpu.memory_space<vmem>>, vector<16xi32>,
      %broadcast_in_dim3A_521 = arith.constant 0 : i32
      %broadcast_in_dim3A_522 = vector.broadcast %broadcast_in_dim3A_521 : i32 to vector<16xi32>
      %gather3A_523 = tpu.vector_load_idx %arg6[%get3A_520, %broadcast_in_dim3A_522] : memref<1000x16xf32, #tpu.memory_space<vmem>>[vector<16xi32>, vector<16xi32>], vector<16xf32>,
      %swap3A_524 = arith.constant 0 : i32
      %swap3A_525 = arith.constant 0 : i32
      %swap3A_526 = arith.index_cast %scan3A_31 : i32 to index
      %swap3A_527 = arith.index_cast %swap3A_524 : i32 to index
      %swap3A_528 = arith.index_cast %swap3A_525 : i32 to index
      %swap3A_529 = arith.constant 48 : index
      %swap3A_530 = tpu.vector_load %arg7[%swap3A_526, %swap3A_527, %swap3A_528, %swap3A_529] {strides = array<i32>} : memref<20x2x8x128xf32, #tpu.memory_space<vmem>>, vector<16xf32>,
      tpu.vector_store %arg7[%swap3A_526, %swap3A_527, %swap3A_528, %swap3A_529], %gather3A_523 {strides = array<i32>} : memref<20x2x8x128xf32, #tpu.memory_space<vmem>>, vector<16xf32>,
      %broadcast_in_dim3A_531 = arith.constant 1 : i32
      %broadcast_in_dim3A_532 = vector.broadcast %broadcast_in_dim3A_531 : i32 to vector<16xi32>
      %gather3A_533 = tpu.vector_load_idx %arg6[%get3A_520, %broadcast_in_dim3A_532] : memref<1000x16xf32, #tpu.memory_space<vmem>>[vector<16xi32>, vector<16xi32>], vector<16xf32>,
      %swap3A_534 = arith.constant 0 : i32
      %swap3A_535 = arith.constant 1 : i32
      %swap3A_536 = arith.index_cast %scan3A_31 : i32 to index
      %swap3A_537 = arith.index_cast %swap3A_534 : i32 to index
      %swap3A_538 = arith.index_cast %swap3A_535 : i32 to index
      %swap3A_539 = arith.constant 48 : index
      %swap3A_540 = tpu.vector_load %arg7[%swap3A_536, %swap3A_537, %swap3A_538, %swap3A_539] {strides = array<i32>} : memref<20x2x8x128xf32, #tpu.memory_space<vmem>>, vector<16xf32>,
      tpu.vector_store %arg7[%swap3A_536, %swap3A_537, %swap3A_538, %swap3A_539], %gather3A_533 {strides = array<i32>} : memref<20x2x8x128xf32, #tpu.memory_space<vmem>>, vector<16xf32>,
      %broadcast_in_dim3A_541 = arith.constant 2 : i32
      %broadcast_in_dim3A_542 = vector.broadcast %broadcast_in_dim3A_541 : i32 to vector<16xi32>
      %gather3A_543 = tpu.vector_load_idx %arg6[%get3A_520, %broadcast_in_dim3A_542] : memref<1000x16xf32, #tpu.memory_space<vmem>>[vector<16xi32>, vector<16xi32>], vector<16xf32>,
      %swap3A_544 = arith.constant 0 : i32
      %swap3A_545 = arith.constant 2 : i32
      %swap3A_546 = arith.index_cast %scan3A_31 : i32 to index
      %swap3A_547 = arith.index_cast %swap3A_544 : i32 to index
      %swap3A_548 = arith.index_cast %swap3A_545 : i32 to index
      %swap3A_549 = arith.constant 48 : index
      %swap3A_550 = tpu.vector_load %arg7[%swap3A_546, %swap3A_547, %swap3A_548, %swap3A_549] {strides = array<i32>} : memref<20x2x8x128xf32, #tpu.memory_space<vmem>>, vector<16xf32>,
      tpu.vector_store %arg7[%swap3A_546, %swap3A_547, %swap3A_548, %swap3A_549], %gather3A_543 {strides = array<i32>} : memref<20x2x8x128xf32, #tpu.memory_space<vmem>>, vector<16xf32>,
      %broadcast_in_dim3A_551 = arith.constant 3 : i32
      %broadcast_in_dim3A_552 = vector.broadcast %broadcast_in_dim3A_551 : i32 to vector<16xi32>
      %gather3A_553 = tpu.vector_load_idx %arg6[%get3A_520, %broadcast_in_dim3A_552] : memref<1000x16xf32, #tpu.memory_space<vmem>>[vector<16xi32>, vector<16xi32>], vector<16xf32>,
      %swap3A_554 = arith.constant 0 : i32
      %swap3A_555 = arith.constant 3 : i32
      %swap3A_556 = arith.index_cast %scan3A_31 : i32 to index
      %swap3A_557 = arith.index_cast %swap3A_554 : i32 to index
      %swap3A_558 = arith.index_cast %swap3A_555 : i32 to index
      %swap3A_559 = arith.constant 48 : index
      %swap3A_560 = tpu.vector_load %arg7[%swap3A_556, %swap3A_557, %swap3A_558, %swap3A_559] {strides = array<i32>} : memref<20x2x8x128xf32, #tpu.memory_space<vmem>>, vector<16xf32>,
      tpu.vector_store %arg7[%swap3A_556, %swap3A_557, %swap3A_558, %swap3A_559], %gather3A_553 {strides = array<i32>} : memref<20x2x8x128xf32, #tpu.memory_space<vmem>>, vector<16xf32>,
      %broadcast_in_dim3A_561 = arith.constant 4 : i32
      %broadcast_in_dim3A_562 = vector.broadcast %broadcast_in_dim3A_561 : i32 to vector<16xi32>
      %gather3A_563 = tpu.vector_load_idx %arg6[%get3A_520, %broadcast_in_dim3A_562] : memref<1000x16xf32, #tpu.memory_space<vmem>>[vector<16xi32>, vector<16xi32>], vector<16xf32>,
      %swap3A_564 = arith.constant 0 : i32
      %swap3A_565 = arith.constant 4 : i32
      %swap3A_566 = arith.index_cast %scan3A_31 : i32 to index
      %swap3A_567 = arith.index_cast %swap3A_564 : i32 to index
      %swap3A_568 = arith.index_cast %swap3A_565 : i32 to index
      %swap3A_569 = arith.constant 48 : index
      %swap3A_570 = tpu.vector_load %arg7[%swap3A_566, %swap3A_567, %swap3A_568, %swap3A_569] {strides = array<i32>} : memref<20x2x8x128xf32, #tpu.memory_space<vmem>>, vector<16xf32>,
      tpu.vector_store %arg7[%swap3A_566, %swap3A_567, %swap3A_568, %swap3A_569], %gather3A_563 {strides = array<i32>} : memref<20x2x8x128xf32, #tpu.memory_space<vmem>>, vector<16xf32>,
      %broadcast_in_dim3A_571 = arith.constant 5 : i32
      %broadcast_in_dim3A_572 = vector.broadcast %broadcast_in_dim3A_571 : i32 to vector<16xi32>
      %gather3A_573 = tpu.vector_load_idx %arg6[%get3A_520, %broadcast_in_dim3A_572] : memref<1000x16xf32, #tpu.memory_space<vmem>>[vector<16xi32>, vector<16xi32>], vector<16xf32>,
      %swap3A_574 = arith.constant 0 : i32
      %swap3A_575 = arith.constant 5 : i32
      %swap3A_576 = arith.index_cast %scan3A_31 : i32 to index
      %swap3A_577 = arith.index_cast %swap3A_574 : i32 to index
      %swap3A_578 = arith.index_cast %swap3A_575 : i32 to index
      %swap3A_579 = arith.constant 48 : index
      %swap3A_580 = tpu.vector_load %arg7[%swap3A_576, %swap3A_577, %swap3A_578, %swap3A_579] {strides = array<i32>} : memref<20x2x8x128xf32, #tpu.memory_space<vmem>>, vector<16xf32>,
      tpu.vector_store %arg7[%swap3A_576, %swap3A_577, %swap3A_578, %swap3A_579], %gather3A_573 {strides = array<i32>} : memref<20x2x8x128xf32, #tpu.memory_space<vmem>>, vector<16xf32>,
      %broadcast_in_dim3A_581 = arith.constant 6 : i32
      %broadcast_in_dim3A_582 = vector.broadcast %broadcast_in_dim3A_581 : i32 to vector<16xi32>
      %gather3A_583 = tpu.vector_load_idx %arg6[%get3A_520, %broadcast_in_dim3A_582] : memref<1000x16xf32, #tpu.memory_space<vmem>>[vector<16xi32>, vector<16xi32>], vector<16xf32>,
      %swap3A_584 = arith.constant 0 : i32
      %swap3A_585 = arith.constant 6 : i32
      %swap3A_586 = arith.index_cast %scan3A_31 : i32 to index
      %swap3A_587 = arith.index_cast %swap3A_584 : i32 to index
      %swap3A_588 = arith.index_cast %swap3A_585 : i32 to index
      %swap3A_589 = arith.constant 48 : index
      %swap3A_590 = tpu.vector_load %arg7[%swap3A_586, %swap3A_587, %swap3A_588, %swap3A_589] {strides = array<i32>} : memref<20x2x8x128xf32, #tpu.memory_space<vmem>>, vector<16xf32>,
      tpu.vector_store %arg7[%swap3A_586, %swap3A_587, %swap3A_588, %swap3A_589], %gather3A_583 {strides = array<i32>} : memref<20x2x8x128xf32, #tpu.memory_space<vmem>>, vector<16xf32>,
      %broadcast_in_dim3A_591 = arith.constant 7 : i32
      %broadcast_in_dim3A_592 = vector.broadcast %broadcast_in_dim3A_591 : i32 to vector<16xi32>
      %gather3A_593 = tpu.vector_load_idx %arg6[%get3A_520, %broadcast_in_dim3A_592] : memref<1000x16xf32, #tpu.memory_space<vmem>>[vector<16xi32>, vector<16xi32>], vector<16xf32>,
      %swap3A_594 = arith.constant 0 : i32
      %swap3A_595 = arith.constant 7 : i32
      %swap3A_596 = arith.index_cast %scan3A_31 : i32 to index
      %swap3A_597 = arith.index_cast %swap3A_594 : i32 to index
      %swap3A_598 = arith.index_cast %swap3A_595 : i32 to index
      %swap3A_599 = arith.constant 48 : index
      %swap3A_600 = tpu.vector_load %arg7[%swap3A_596, %swap3A_597, %swap3A_598, %swap3A_599] {strides = array<i32>} : memref<20x2x8x128xf32, #tpu.memory_space<vmem>>, vector<16xf32>,
      tpu.vector_store %arg7[%swap3A_596, %swap3A_597, %swap3A_598, %swap3A_599], %gather3A_593 {strides = array<i32>} : memref<20x2x8x128xf32, #tpu.memory_space<vmem>>, vector<16xf32>,
      %broadcast_in_dim3A_601 = arith.constant 8 : i32
      %broadcast_in_dim3A_602 = vector.broadcast %broadcast_in_dim3A_601 : i32 to vector<16xi32>
      %gather3A_603 = tpu.vector_load_idx %arg6[%get3A_520, %broadcast_in_dim3A_602] : memref<1000x16xf32, #tpu.memory_space<vmem>>[vector<16xi32>, vector<16xi32>], vector<16xf32>,
      %swap3A_604 = arith.constant 1 : i32
      %swap3A_605 = arith.constant 0 : i32
      %swap3A_606 = arith.index_cast %scan3A_31 : i32 to index
      %swap3A_607 = arith.index_cast %swap3A_604 : i32 to index
      %swap3A_608 = arith.index_cast %swap3A_605 : i32 to index
      %swap3A_609 = arith.constant 48 : index
      %swap3A_610 = tpu.vector_load %arg7[%swap3A_606, %swap3A_607, %swap3A_608, %swap3A_609] {strides = array<i32>} : memref<20x2x8x128xf32, #tpu.memory_space<vmem>>, vector<16xf32>,
      tpu.vector_store %arg7[%swap3A_606, %swap3A_607, %swap3A_608, %swap3A_609], %gather3A_603 {strides = array<i32>} : memref<20x2x8x128xf32, #tpu.memory_space<vmem>>, vector<16xf32>,
      %broadcast_in_dim3A_611 = arith.constant 9 : i32
      %broadcast_in_dim3A_612 = vector.broadcast %broadcast_in_dim3A_611 : i32 to vector<16xi32>
      %gather3A_613 = tpu.vector_load_idx %arg6[%get3A_520, %broadcast_in_dim3A_612] : memref<1000x16xf32, #tpu.memory_space<vmem>>[vector<16xi32>, vector<16xi32>], vector<16xf32>,
      %swap3A_614 = arith.constant 1 : i32
      %swap3A_615 = arith.constant 1 : i32
      %swap3A_616 = arith.index_cast %scan3A_31 : i32 to index
      %swap3A_617 = arith.index_cast %swap3A_614 : i32 to index
      %swap3A_618 = arith.index_cast %swap3A_615 : i32 to index
      %swap3A_619 = arith.constant 48 : index
      %swap3A_620 = tpu.vector_load %arg7[%swap3A_616, %swap3A_617, %swap3A_618, %swap3A_619] {strides = array<i32>} : memref<20x2x8x128xf32, #tpu.memory_space<vmem>>, vector<16xf32>,
      tpu.vector_store %arg7[%swap3A_616, %swap3A_617, %swap3A_618, %swap3A_619], %gather3A_613 {strides = array<i32>} : memref<20x2x8x128xf32, #tpu.memory_space<vmem>>, vector<16xf32>,
      %broadcast_in_dim3A_621 = arith.constant 10 : i32
      %broadcast_in_dim3A_622 = vector.broadcast %broadcast_in_dim3A_621 : i32 to vector<16xi32>
      %gather3A_623 = tpu.vector_load_idx %arg6[%get3A_520, %broadcast_in_dim3A_622] : memref<1000x16xf32, #tpu.memory_space<vmem>>[vector<16xi32>, vector<16xi32>], vector<16xf32>,
      %swap3A_624 = arith.constant 1 : i32
      %swap3A_625 = arith.constant 2 : i32
      %swap3A_626 = arith.index_cast %scan3A_31 : i32 to index
      %swap3A_627 = arith.index_cast %swap3A_624 : i32 to index
      %swap3A_628 = arith.index_cast %swap3A_625 : i32 to index
      %swap3A_629 = arith.constant 48 : index
      %swap3A_630 = tpu.vector_load %arg7[%swap3A_626, %swap3A_627, %swap3A_628, %swap3A_629] {strides = array<i32>} : memref<20x2x8x128xf32, #tpu.memory_space<vmem>>, vector<16xf32>,
      tpu.vector_store %arg7[%swap3A_626, %swap3A_627, %swap3A_628, %swap3A_629], %gather3A_623 {strides = array<i32>} : memref<20x2x8x128xf32, #tpu.memory_space<vmem>>, vector<16xf32>,
      %broadcast_in_dim3A_631 = arith.constant 11 : i32
      %broadcast_in_dim3A_632 = vector.broadcast %broadcast_in_dim3A_631 : i32 to vector<16xi32>
      %gather3A_633 = tpu.vector_load_idx %arg6[%get3A_520, %broadcast_in_dim3A_632] : memref<1000x16xf32, #tpu.memory_space<vmem>>[vector<16xi32>, vector<16xi32>], vector<16xf32>,
      %swap3A_634 = arith.constant 1 : i32
      %swap3A_635 = arith.constant 3 : i32
      %swap3A_636 = arith.index_cast %scan3A_31 : i32 to index
      %swap3A_637 = arith.index_cast %swap3A_634 : i32 to index
      %swap3A_638 = arith.index_cast %swap3A_635 : i32 to index
      %swap3A_639 = arith.constant 48 : index
      %swap3A_640 = tpu.vector_load %arg7[%swap3A_636, %swap3A_637, %swap3A_638, %swap3A_639] {strides = array<i32>} : memref<20x2x8x128xf32, #tpu.memory_space<vmem>>, vector<16xf32>,
      tpu.vector_store %arg7[%swap3A_636, %swap3A_637, %swap3A_638, %swap3A_639], %gather3A_633 {strides = array<i32>} : memref<20x2x8x128xf32, #tpu.memory_space<vmem>>, vector<16xf32>,
      %broadcast_in_dim3A_641 = arith.constant 12 : i32
      %broadcast_in_dim3A_642 = vector.broadcast %broadcast_in_dim3A_641 : i32 to vector<16xi32>
      %gather3A_643 = tpu.vector_load_idx %arg6[%get3A_520, %broadcast_in_dim3A_642] : memref<1000x16xf32, #tpu.memory_space<vmem>>[vector<16xi32>, vector<16xi32>], vector<16xf32>,
      %swap3A_644 = arith.constant 1 : i32
      %swap3A_645 = arith.constant 4 : i32
      %swap3A_646 = arith.index_cast %scan3A_31 : i32 to index
      %swap3A_647 = arith.index_cast %swap3A_644 : i32 to index
      %swap3A_648 = arith.index_cast %swap3A_645 : i32 to index
      %swap3A_649 = arith.constant 48 : index
      %swap3A_650 = tpu.vector_load %arg7[%swap3A_646, %swap3A_647, %swap3A_648, %swap3A_649] {strides = array<i32>} : memref<20x2x8x128xf32, #tpu.memory_space<vmem>>, vector<16xf32>,
      tpu.vector_store %arg7[%swap3A_646, %swap3A_647, %swap3A_648, %swap3A_649], %gather3A_643 {strides = array<i32>} : memref<20x2x8x128xf32, #tpu.memory_space<vmem>>, vector<16xf32>,
      %broadcast_in_dim3A_651 = arith.constant 13 : i32
      %broadcast_in_dim3A_652 = vector.broadcast %broadcast_in_dim3A_651 : i32 to vector<16xi32>
      %gather3A_653 = tpu.vector_load_idx %arg6[%get3A_520, %broadcast_in_dim3A_652] : memref<1000x16xf32, #tpu.memory_space<vmem>>[vector<16xi32>, vector<16xi32>], vector<16xf32>,
      %swap3A_654 = arith.constant 1 : i32
      %swap3A_655 = arith.constant 5 : i32
      %swap3A_656 = arith.index_cast %scan3A_31 : i32 to index
      %swap3A_657 = arith.index_cast %swap3A_654 : i32 to index
      %swap3A_658 = arith.index_cast %swap3A_655 : i32 to index
      %swap3A_659 = arith.constant 48 : index
      %swap3A_660 = tpu.vector_load %arg7[%swap3A_656, %swap3A_657, %swap3A_658, %swap3A_659] {strides = array<i32>} : memref<20x2x8x128xf32, #tpu.memory_space<vmem>>, vector<16xf32>,
      tpu.vector_store %arg7[%swap3A_656, %swap3A_657, %swap3A_658, %swap3A_659], %gather3A_653 {strides = array<i32>} : memref<20x2x8x128xf32, #tpu.memory_space<vmem>>, vector<16xf32>,
      %broadcast_in_dim3A_661 = arith.constant 14 : i32
      %broadcast_in_dim3A_662 = vector.broadcast %broadcast_in_dim3A_661 : i32 to vector<16xi32>
      %gather3A_663 = tpu.vector_load_idx %arg6[%get3A_520, %broadcast_in_dim3A_662] : memref<1000x16xf32, #tpu.memory_space<vmem>>[vector<16xi32>, vector<16xi32>], vector<16xf32>,
      %swap3A_664 = arith.constant 1 : i32
      %swap3A_665 = arith.constant 6 : i32
      %swap3A_666 = arith.index_cast %scan3A_31 : i32 to index
      %swap3A_667 = arith.index_cast %swap3A_664 : i32 to index
      %swap3A_668 = arith.index_cast %swap3A_665 : i32 to index
      %swap3A_669 = arith.constant 48 : index
      %swap3A_670 = tpu.vector_load %arg7[%swap3A_666, %swap3A_667, %swap3A_668, %swap3A_669] {strides = array<i32>} : memref<20x2x8x128xf32, #tpu.memory_space<vmem>>, vector<16xf32>,
      tpu.vector_store %arg7[%swap3A_666, %swap3A_667, %swap3A_668, %swap3A_669], %gather3A_663 {strides = array<i32>} : memref<20x2x8x128xf32, #tpu.memory_space<vmem>>, vector<16xf32>,
      %broadcast_in_dim3A_671 = arith.constant 15 : i32
      %broadcast_in_dim3A_672 = vector.broadcast %broadcast_in_dim3A_671 : i32 to vector<16xi32>
      %gather3A_673 = tpu.vector_load_idx %arg6[%get3A_520, %broadcast_in_dim3A_672] : memref<1000x16xf32, #tpu.memory_space<vmem>>[vector<16xi32>, vector<16xi32>], vector<16xf32>,
      %swap3A_674 = arith.constant 1 : i32
      %swap3A_675 = arith.constant 7 : i32
      %swap3A_676 = arith.index_cast %scan3A_31 : i32 to index
      %swap3A_677 = arith.index_cast %swap3A_674 : i32 to index
      %swap3A_678 = arith.index_cast %swap3A_675 : i32 to index
      %swap3A_679 = arith.constant 48 : index
      %swap3A_680 = tpu.vector_load %arg7[%swap3A_676, %swap3A_677, %swap3A_678, %swap3A_679] {strides = array<i32>} : memref<20x2x8x128xf32, #tpu.memory_space<vmem>>, vector<16xf32>,
      tpu.vector_store %arg7[%swap3A_676, %swap3A_677, %swap3A_678, %swap3A_679], %gather3A_673 {strides = array<i32>} : memref<20x2x8x128xf32, #tpu.memory_space<vmem>>, vector<16xf32>,
      %get3A_681 = arith.index_cast %scan3A_31 : i32 to index
      %get3A_682 = arith.constant 64 : index
      %get3A_683 = tpu.vector_load %arg5[%get3A_681, %get3A_682] {strides = array<i32>} : memref<20x128xi32, #tpu.memory_space<vmem>>, vector<16xi32>,
      %broadcast_in_dim3A_684 = arith.constant 0 : i32
      %broadcast_in_dim3A_685 = vector.broadcast %broadcast_in_dim3A_684 : i32 to vector<16xi32>
      %gather3A_686 = tpu.vector_load_idx %arg6[%get3A_683, %broadcast_in_dim3A_685] : memref<1000x16xf32, #tpu.memory_space<vmem>>[vector<16xi32>, vector<16xi32>], vector<16xf32>,
      %swap3A_687 = arith.constant 0 : i32
      %swap3A_688 = arith.constant 0 : i32
      %swap3A_689 = arith.index_cast %scan3A_31 : i32 to index
      %swap3A_690 = arith.index_cast %swap3A_687 : i32 to index
      %swap3A_691 = arith.index_cast %swap3A_688 : i32 to index
      %swap3A_692 = arith.constant 64 : index
      %swap3A_693 = tpu.vector_load %arg7[%swap3A_689, %swap3A_690, %swap3A_691, %swap3A_692] {strides = array<i32>} : memref<20x2x8x128xf32, #tpu.memory_space<vmem>>, vector<16xf32>,
      tpu.vector_store %arg7[%swap3A_689, %swap3A_690, %swap3A_691, %swap3A_692], %gather3A_686 {strides = array<i32>} : memref<20x2x8x128xf32, #tpu.memory_space<vmem>>, vector<16xf32>,
      %broadcast_in_dim3A_694 = arith.constant 1 : i32
      %broadcast_in_dim3A_695 = vector.broadcast %broadcast_in_dim3A_694 : i32 to vector<16xi32>
      %gather3A_696 = tpu.vector_load_idx %arg6[%get3A_683, %broadcast_in_dim3A_695] : memref<1000x16xf32, #tpu.memory_space<vmem>>[vector<16xi32>, vector<16xi32>], vector<16xf32>,
      %swap3A_697 = arith.constant 0 : i32
      %swap3A_698 = arith.constant 1 : i32
      %swap3A_699 = arith.index_cast %scan3A_31 : i32 to index
      %swap3A_700 = arith.index_cast %swap3A_697 : i32 to index
      %swap3A_701 = arith.index_cast %swap3A_698 : i32 to index
      %swap3A_702 = arith.constant 64 : index
      %swap3A_703 = tpu.vector_load %arg7[%swap3A_699, %swap3A_700, %swap3A_701, %swap3A_702] {strides = array<i32>} : memref<20x2x8x128xf32, #tpu.memory_space<vmem>>, vector<16xf32>,
      tpu.vector_store %arg7[%swap3A_699, %swap3A_700, %swap3A_701, %swap3A_702], %gather3A_696 {strides = array<i32>} : memref<20x2x8x128xf32, #tpu.memory_space<vmem>>, vector<16xf32>,
      %broadcast_in_dim3A_704 = arith.constant 2 : i32
      %broadcast_in_dim3A_705 = vector.broadcast %broadcast_in_dim3A_704 : i32 to vector<16xi32>
      %gather3A_706 = tpu.vector_load_idx %arg6[%get3A_683, %broadcast_in_dim3A_705] : memref<1000x16xf32, #tpu.memory_space<vmem>>[vector<16xi32>, vector<16xi32>], vector<16xf32>,
      %swap3A_707 = arith.constant 0 : i32
      %swap3A_708 = arith.constant 2 : i32
      %swap3A_709 = arith.index_cast %scan3A_31 : i32 to index
      %swap3A_710 = arith.index_cast %swap3A_707 : i32 to index
      %swap3A_711 = arith.index_cast %swap3A_708 : i32 to index
      %swap3A_712 = arith.constant 64 : index
      %swap3A_713 = tpu.vector_load %arg7[%swap3A_709, %swap3A_710, %swap3A_711, %swap3A_712] {strides = array<i32>} : memref<20x2x8x128xf32, #tpu.memory_space<vmem>>, vector<16xf32>,
      tpu.vector_store %arg7[%swap3A_709, %swap3A_710, %swap3A_711, %swap3A_712], %gather3A_706 {strides = array<i32>} : memref<20x2x8x128xf32, #tpu.memory_space<vmem>>, vector<16xf32>,
      %broadcast_in_dim3A_714 = arith.constant 3 : i32
      %broadcast_in_dim3A_715 = vector.broadcast %broadcast_in_dim3A_714 : i32 to vector<16xi32>
      %gather3A_716 = tpu.vector_load_idx %arg6[%get3A_683, %broadcast_in_dim3A_715] : memref<1000x16xf32, #tpu.memory_space<vmem>>[vector<16xi32>, vector<16xi32>], vector<16xf32>,
      %swap3A_717 = arith.constant 0 : i32
      %swap3A_718 = arith.constant 3 : i32
      %swap3A_719 = arith.index_cast %scan3A_31 : i32 to index
      %swap3A_720 = arith.index_cast %swap3A_717 : i32 to index
      %swap3A_721 = arith.index_cast %swap3A_718 : i32 to index
      %swap3A_722 = arith.constant 64 : index
      %swap3A_723 = tpu.vector_load %arg7[%swap3A_719, %swap3A_720, %swap3A_721, %swap3A_722] {strides = array<i32>} : memref<20x2x8x128xf32, #tpu.memory_space<vmem>>, vector<16xf32>,
      tpu.vector_store %arg7[%swap3A_719, %swap3A_720, %swap3A_721, %swap3A_722], %gather3A_716 {strides = array<i32>} : memref<20x2x8x128xf32, #tpu.memory_space<vmem>>, vector<16xf32>,
      %broadcast_in_dim3A_724 = arith.constant 4 : i32
      %broadcast_in_dim3A_725 = vector.broadcast %broadcast_in_dim3A_724 : i32 to vector<16xi32>
      %gather3A_726 = tpu.vector_load_idx %arg6[%get3A_683, %broadcast_in_dim3A_725] : memref<1000x16xf32, #tpu.memory_space<vmem>>[vector<16xi32>, vector<16xi32>], vector<16xf32>,
      %swap3A_727 = arith.constant 0 : i32
      %swap3A_728 = arith.constant 4 : i32
      %swap3A_729 = arith.index_cast %scan3A_31 : i32 to index
      %swap3A_730 = arith.index_cast %swap3A_727 : i32 to index
      %swap3A_731 = arith.index_cast %swap3A_728 : i32 to index
      %swap3A_732 = arith.constant 64 : index
      %swap3A_733 = tpu.vector_load %arg7[%swap3A_729, %swap3A_730, %swap3A_731, %swap3A_732] {strides = array<i32>} : memref<20x2x8x128xf32, #tpu.memory_space<vmem>>, vector<16xf32>,
      tpu.vector_store %arg7[%swap3A_729, %swap3A_730, %swap3A_731, %swap3A_732], %gather3A_726 {strides = array<i32>} : memref<20x2x8x128xf32, #tpu.memory_space<vmem>>, vector<16xf32>,
      %broadcast_in_dim3A_734 = arith.constant 5 : i32
      %broadcast_in_dim3A_735 = vector.broadcast %broadcast_in_dim3A_734 : i32 to vector<16xi32>
      %gather3A_736 = tpu.vector_load_idx %arg6[%get3A_683, %broadcast_in_dim3A_735] : memref<1000x16xf32, #tpu.memory_space<vmem>>[vector<16xi32>, vector<16xi32>], vector<16xf32>,
      %swap3A_737 = arith.constant 0 : i32
      %swap3A_738 = arith.constant 5 : i32
      %swap3A_739 = arith.index_cast %scan3A_31 : i32 to index
      %swap3A_740 = arith.index_cast %swap3A_737 : i32 to index
      %swap3A_741 = arith.index_cast %swap3A_738 : i32 to index
      %swap3A_742 = arith.constant 64 : index
      %swap3A_743 = tpu.vector_load %arg7[%swap3A_739, %swap3A_740, %swap3A_741, %swap3A_742] {strides = array<i32>} : memref<20x2x8x128xf32, #tpu.memory_space<vmem>>, vector<16xf32>,
      tpu.vector_store %arg7[%swap3A_739, %swap3A_740, %swap3A_741, %swap3A_742], %gather3A_736 {strides = array<i32>} : memref<20x2x8x128xf32, #tpu.memory_space<vmem>>, vector<16xf32>,
      %broadcast_in_dim3A_744 = arith.constant 6 : i32
      %broadcast_in_dim3A_745 = vector.broadcast %broadcast_in_dim3A_744 : i32 to vector<16xi32>
      %gather3A_746 = tpu.vector_load_idx %arg6[%get3A_683, %broadcast_in_dim3A_745] : memref<1000x16xf32, #tpu.memory_space<vmem>>[vector<16xi32>, vector<16xi32>], vector<16xf32>,
      %swap3A_747 = arith.constant 0 : i32
      %swap3A_748 = arith.constant 6 : i32
      %swap3A_749 = arith.index_cast %scan3A_31 : i32 to index
      %swap3A_750 = arith.index_cast %swap3A_747 : i32 to index
      %swap3A_751 = arith.index_cast %swap3A_748 : i32 to index
      %swap3A_752 = arith.constant 64 : index
      %swap3A_753 = tpu.vector_load %arg7[%swap3A_749, %swap3A_750, %swap3A_751, %swap3A_752] {strides = array<i32>} : memref<20x2x8x128xf32, #tpu.memory_space<vmem>>, vector<16xf32>,
      tpu.vector_store %arg7[%swap3A_749, %swap3A_750, %swap3A_751, %swap3A_752], %gather3A_746 {strides = array<i32>} : memref<20x2x8x128xf32, #tpu.memory_space<vmem>>, vector<16xf32>,
      %broadcast_in_dim3A_754 = arith.constant 7 : i32
      %broadcast_in_dim3A_755 = vector.broadcast %broadcast_in_dim3A_754 : i32 to vector<16xi32>
      %gather3A_756 = tpu.vector_load_idx %arg6[%get3A_683, %broadcast_in_dim3A_755] : memref<1000x16xf32, #tpu.memory_space<vmem>>[vector<16xi32>, vector<16xi32>], vector<16xf32>,
      %swap3A_757 = arith.constant 0 : i32
      %swap3A_758 = arith.constant 7 : i32
      %swap3A_759 = arith.index_cast %scan3A_31 : i32 to index
      %swap3A_760 = arith.index_cast %swap3A_757 : i32 to index
      %swap3A_761 = arith.index_cast %swap3A_758 : i32 to index
      %swap3A_762 = arith.constant 64 : index
      %swap3A_763 = tpu.vector_load %arg7[%swap3A_759, %swap3A_760, %swap3A_761, %swap3A_762] {strides = array<i32>} : memref<20x2x8x128xf32, #tpu.memory_space<vmem>>, vector<16xf32>,
      tpu.vector_store %arg7[%swap3A_759, %swap3A_760, %swap3A_761, %swap3A_762], %gather3A_756 {strides = array<i32>} : memref<20x2x8x128xf32, #tpu.memory_space<vmem>>, vector<16xf32>,
      %broadcast_in_dim3A_764 = arith.constant 8 : i32
      %broadcast_in_dim3A_765 = vector.broadcast %broadcast_in_dim3A_764 : i32 to vector<16xi32>
      %gather3A_766 = tpu.vector_load_idx %arg6[%get3A_683, %broadcast_in_dim3A_765] : memref<1000x16xf32, #tpu.memory_space<vmem>>[vector<16xi32>, vector<16xi32>], vector<16xf32>,
      %swap3A_767 = arith.constant 1 : i32
      %swap3A_768 = arith.constant 0 : i32
      %swap3A_769 = arith.index_cast %scan3A_31 : i32 to index
      %swap3A_770 = arith.index_cast %swap3A_767 : i32 to index
      %swap3A_771 = arith.index_cast %swap3A_768 : i32 to index
      %swap3A_772 = arith.constant 64 : index
      %swap3A_773 = tpu.vector_load %arg7[%swap3A_769, %swap3A_770, %swap3A_771, %swap3A_772] {strides = array<i32>} : memref<20x2x8x128xf32, #tpu.memory_space<vmem>>, vector<16xf32>,
      tpu.vector_store %arg7[%swap3A_769, %swap3A_770, %swap3A_771, %swap3A_772], %gather3A_766 {strides = array<i32>} : memref<20x2x8x128xf32, #tpu.memory_space<vmem>>, vector<16xf32>,
      %broadcast_in_dim3A_774 = arith.constant 9 : i32
      %broadcast_in_dim3A_775 = vector.broadcast %broadcast_in_dim3A_774 : i32 to vector<16xi32>
      %gather3A_776 = tpu.vector_load_idx %arg6[%get3A_683, %broadcast_in_dim3A_775] : memref<1000x16xf32, #tpu.memory_space<vmem>>[vector<16xi32>, vector<16xi32>], vector<16xf32>,
      %swap3A_777 = arith.constant 1 : i32
      %swap3A_778 = arith.constant 1 : i32
      %swap3A_779 = arith.index_cast %scan3A_31 : i32 to index
      %swap3A_780 = arith.index_cast %swap3A_777 : i32 to index
      %swap3A_781 = arith.index_cast %swap3A_778 : i32 to index
      %swap3A_782 = arith.constant 64 : index
      %swap3A_783 = tpu.vector_load %arg7[%swap3A_779, %swap3A_780, %swap3A_781, %swap3A_782] {strides = array<i32>} : memref<20x2x8x128xf32, #tpu.memory_space<vmem>>, vector<16xf32>,
      tpu.vector_store %arg7[%swap3A_779, %swap3A_780, %swap3A_781, %swap3A_782], %gather3A_776 {strides = array<i32>} : memref<20x2x8x128xf32, #tpu.memory_space<vmem>>, vector<16xf32>,
      %broadcast_in_dim3A_784 = arith.constant 10 : i32
      %broadcast_in_dim3A_785 = vector.broadcast %broadcast_in_dim3A_784 : i32 to vector<16xi32>
      %gather3A_786 = tpu.vector_load_idx %arg6[%get3A_683, %broadcast_in_dim3A_785] : memref<1000x16xf32, #tpu.memory_space<vmem>>[vector<16xi32>, vector<16xi32>], vector<16xf32>,
      %swap3A_787 = arith.constant 1 : i32
      %swap3A_788 = arith.constant 2 : i32
      %swap3A_789 = arith.index_cast %scan3A_31 : i32 to index
      %swap3A_790 = arith.index_cast %swap3A_787 : i32 to index
      %swap3A_791 = arith.index_cast %swap3A_788 : i32 to index
      %swap3A_792 = arith.constant 64 : index
      %swap3A_793 = tpu.vector_load %arg7[%swap3A_789, %swap3A_790, %swap3A_791, %swap3A_792] {strides = array<i32>} : memref<20x2x8x128xf32, #tpu.memory_space<vmem>>, vector<16xf32>,
      tpu.vector_store %arg7[%swap3A_789, %swap3A_790, %swap3A_791, %swap3A_792], %gather3A_786 {strides = array<i32>} : memref<20x2x8x128xf32, #tpu.memory_space<vmem>>, vector<16xf32>,
      %broadcast_in_dim3A_794 = arith.constant 11 : i32
      %broadcast_in_dim3A_795 = vector.broadcast %broadcast_in_dim3A_794 : i32 to vector<16xi32>
      %gather3A_796 = tpu.vector_load_idx %arg6[%get3A_683, %broadcast_in_dim3A_795] : memref<1000x16xf32, #tpu.memory_space<vmem>>[vector<16xi32>, vector<16xi32>], vector<16xf32>,
      %swap3A_797 = arith.constant 1 : i32
      %swap3A_798 = arith.constant 3 : i32
      %swap3A_799 = arith.index_cast %scan3A_31 : i32 to index
      %swap3A_800 = arith.index_cast %swap3A_797 : i32 to index
      %swap3A_801 = arith.index_cast %swap3A_798 : i32 to index
      %swap3A_802 = arith.constant 64 : index
      %swap3A_803 = tpu.vector_load %arg7[%swap3A_799, %swap3A_800, %swap3A_801, %swap3A_802] {strides = array<i32>} : memref<20x2x8x128xf32, #tpu.memory_space<vmem>>, vector<16xf32>,
      tpu.vector_store %arg7[%swap3A_799, %swap3A_800, %swap3A_801, %swap3A_802], %gather3A_796 {strides = array<i32>} : memref<20x2x8x128xf32, #tpu.memory_space<vmem>>, vector<16xf32>,
      %broadcast_in_dim3A_804 = arith.constant 12 : i32
      %broadcast_in_dim3A_805 = vector.broadcast %broadcast_in_dim3A_804 : i32 to vector<16xi32>
      %gather3A_806 = tpu.vector_load_idx %arg6[%get3A_683, %broadcast_in_dim3A_805] : memref<1000x16xf32, #tpu.memory_space<vmem>>[vector<16xi32>, vector<16xi32>], vector<16xf32>,
      %swap3A_807 = arith.constant 1 : i32
      %swap3A_808 = arith.constant 4 : i32
      %swap3A_809 = arith.index_cast %scan3A_31 : i32 to index
      %swap3A_810 = arith.index_cast %swap3A_807 : i32 to index
      %swap3A_811 = arith.index_cast %swap3A_808 : i32 to index
      %swap3A_812 = arith.constant 64 : index
      %swap3A_813 = tpu.vector_load %arg7[%swap3A_809, %swap3A_810, %swap3A_811, %swap3A_812] {strides = array<i32>} : memref<20x2x8x128xf32, #tpu.memory_space<vmem>>, vector<16xf32>,
      tpu.vector_store %arg7[%swap3A_809, %swap3A_810, %swap3A_811, %swap3A_812], %gather3A_806 {strides = array<i32>} : memref<20x2x8x128xf32, #tpu.memory_space<vmem>>, vector<16xf32>,
      %broadcast_in_dim3A_814 = arith.constant 13 : i32
      %broadcast_in_dim3A_815 = vector.broadcast %broadcast_in_dim3A_814 : i32 to vector<16xi32>
      %gather3A_816 = tpu.vector_load_idx %arg6[%get3A_683, %broadcast_in_dim3A_815] : memref<1000x16xf32, #tpu.memory_space<vmem>>[vector<16xi32>, vector<16xi32>], vector<16xf32>,
      %swap3A_817 = arith.constant 1 : i32
      %swap3A_818 = arith.constant 5 : i32
      %swap3A_819 = arith.index_cast %scan3A_31 : i32 to index
      %swap3A_820 = arith.index_cast %swap3A_817 : i32 to index
      %swap3A_821 = arith.index_cast %swap3A_818 : i32 to index
      %swap3A_822 = arith.constant 64 : index
      %swap3A_823 = tpu.vector_load %arg7[%swap3A_819, %swap3A_820, %swap3A_821, %swap3A_822] {strides = array<i32>} : memref<20x2x8x128xf32, #tpu.memory_space<vmem>>, vector<16xf32>,
      tpu.vector_store %arg7[%swap3A_819, %swap3A_820, %swap3A_821, %swap3A_822], %gather3A_816 {strides = array<i32>} : memref<20x2x8x128xf32, #tpu.memory_space<vmem>>, vector<16xf32>,
      %broadcast_in_dim3A_824 = arith.constant 14 : i32
      %broadcast_in_dim3A_825 = vector.broadcast %broadcast_in_dim3A_824 : i32 to vector<16xi32>
      %gather3A_826 = tpu.vector_load_idx %arg6[%get3A_683, %broadcast_in_dim3A_825] : memref<1000x16xf32, #tpu.memory_space<vmem>>[vector<16xi32>, vector<16xi32>], vector<16xf32>,
      %swap3A_827 = arith.constant 1 : i32
      %swap3A_828 = arith.constant 6 : i32
      %swap3A_829 = arith.index_cast %scan3A_31 : i32 to index
      %swap3A_830 = arith.index_cast %swap3A_827 : i32 to index
      %swap3A_831 = arith.index_cast %swap3A_828 : i32 to index
      %swap3A_832 = arith.constant 64 : index
      %swap3A_833 = tpu.vector_load %arg7[%swap3A_829, %swap3A_830, %swap3A_831, %swap3A_832] {strides = array<i32>} : memref<20x2x8x128xf32, #tpu.memory_space<vmem>>, vector<16xf32>,
      tpu.vector_store %arg7[%swap3A_829, %swap3A_830, %swap3A_831, %swap3A_832], %gather3A_826 {strides = array<i32>} : memref<20x2x8x128xf32, #tpu.memory_space<vmem>>, vector<16xf32>,
      %broadcast_in_dim3A_834 = arith.constant 15 : i32
      %broadcast_in_dim3A_835 = vector.broadcast %broadcast_in_dim3A_834 : i32 to vector<16xi32>
      %gather3A_836 = tpu.vector_load_idx %arg6[%get3A_683, %broadcast_in_dim3A_835] : memref<1000x16xf32, #tpu.memory_space<vmem>>[vector<16xi32>, vector<16xi32>], vector<16xf32>,
      %swap3A_837 = arith.constant 1 : i32
      %swap3A_838 = arith.constant 7 : i32
      %swap3A_839 = arith.index_cast %scan3A_31 : i32 to index
      %swap3A_840 = arith.index_cast %swap3A_837 : i32 to index
      %swap3A_841 = arith.index_cast %swap3A_838 : i32 to index
      %swap3A_842 = arith.constant 64 : index
      %swap3A_843 = tpu.vector_load %arg7[%swap3A_839, %swap3A_840, %swap3A_841, %swap3A_842] {strides = array<i32>} : memref<20x2x8x128xf32, #tpu.memory_space<vmem>>, vector<16xf32>,
      tpu.vector_store %arg7[%swap3A_839, %swap3A_840, %swap3A_841, %swap3A_842], %gather3A_836 {strides = array<i32>} : memref<20x2x8x128xf32, #tpu.memory_space<vmem>>, vector<16xf32>,
      %get3A_844 = arith.index_cast %scan3A_31 : i32 to index
      %get3A_845 = arith.constant 80 : index
      %get3A_846 = tpu.vector_load %arg5[%get3A_844, %get3A_845] {strides = array<i32>} : memref<20x128xi32, #tpu.memory_space<vmem>>, vector<16xi32>,
      %broadcast_in_dim3A_847 = arith.constant 0 : i32
      %broadcast_in_dim3A_848 = vector.broadcast %broadcast_in_dim3A_847 : i32 to vector<16xi32>
      %gather3A_849 = tpu.vector_load_idx %arg6[%get3A_846, %broadcast_in_dim3A_848] : memref<1000x16xf32, #tpu.memory_space<vmem>>[vector<16xi32>, vector<16xi32>], vector<16xf32>,
      %swap3A_850 = arith.constant 0 : i32
      %swap3A_851 = arith.constant 0 : i32
      %swap3A_852 = arith.index_cast %scan3A_31 : i32 to index
      %swap3A_853 = arith.index_cast %swap3A_850 : i32 to index
      %swap3A_854 = arith.index_cast %swap3A_851 : i32 to index
      %swap3A_855 = arith.constant 80 : index
      %swap3A_856 = tpu.vector_load %arg7[%swap3A_852, %swap3A_853, %swap3A_854, %swap3A_855] {strides = array<i32>} : memref<20x2x8x128xf32, #tpu.memory_space<vmem>>, vector<16xf32>,
      tpu.vector_store %arg7[%swap3A_852, %swap3A_853, %swap3A_854, %swap3A_855], %gather3A_849 {strides = array<i32>} : memref<20x2x8x128xf32, #tpu.memory_space<vmem>>, vector<16xf32>,
      %broadcast_in_dim3A_857 = arith.constant 1 : i32
      %broadcast_in_dim3A_858 = vector.broadcast %broadcast_in_dim3A_857 : i32 to vector<16xi32>
      %gather3A_859 = tpu.vector_load_idx %arg6[%get3A_846, %broadcast_in_dim3A_858] : memref<1000x16xf32, #tpu.memory_space<vmem>>[vector<16xi32>, vector<16xi32>], vector<16xf32>,
      %swap3A_860 = arith.constant 0 : i32
      %swap3A_861 = arith.constant 1 : i32
      %swap3A_862 = arith.index_cast %scan3A_31 : i32 to index
      %swap3A_863 = arith.index_cast %swap3A_860 : i32 to index
      %swap3A_864 = arith.index_cast %swap3A_861 : i32 to index
      %swap3A_865 = arith.constant 80 : index
      %swap3A_866 = tpu.vector_load %arg7[%swap3A_862, %swap3A_863, %swap3A_864, %swap3A_865] {strides = array<i32>} : memref<20x2x8x128xf32, #tpu.memory_space<vmem>>, vector<16xf32>,
      tpu.vector_store %arg7[%swap3A_862, %swap3A_863, %swap3A_864, %swap3A_865], %gather3A_859 {strides = array<i32>} : memref<20x2x8x128xf32, #tpu.memory_space<vmem>>, vector<16xf32>,
      %broadcast_in_dim3A_867 = arith.constant 2 : i32
      %broadcast_in_dim3A_868 = vector.broadcast %broadcast_in_dim3A_867 : i32 to vector<16xi32>
      %gather3A_869 = tpu.vector_load_idx %arg6[%get3A_846, %broadcast_in_dim3A_868] : memref<1000x16xf32, #tpu.memory_space<vmem>>[vector<16xi32>, vector<16xi32>], vector<16xf32>,
      %swap3A_870 = arith.constant 0 : i32
      %swap3A_871 = arith.constant 2 : i32
      %swap3A_872 = arith.index_cast %scan3A_31 : i32 to index
      %swap3A_873 = arith.index_cast %swap3A_870 : i32 to index
      %swap3A_874 = arith.index_cast %swap3A_871 : i32 to index
      %swap3A_875 = arith.constant 80 : index
      %swap3A_876 = tpu.vector_load %arg7[%swap3A_872, %swap3A_873, %swap3A_874, %swap3A_875] {strides = array<i32>} : memref<20x2x8x128xf32, #tpu.memory_space<vmem>>, vector<16xf32>,
      tpu.vector_store %arg7[%swap3A_872, %swap3A_873, %swap3A_874, %swap3A_875], %gather3A_869 {strides = array<i32>} : memref<20x2x8x128xf32, #tpu.memory_space<vmem>>, vector<16xf32>,
      %broadcast_in_dim3A_877 = arith.constant 3 : i32
      %broadcast_in_dim3A_878 = vector.broadcast %broadcast_in_dim3A_877 : i32 to vector<16xi32>
      %gather3A_879 = tpu.vector_load_idx %arg6[%get3A_846, %broadcast_in_dim3A_878] : memref<1000x16xf32, #tpu.memory_space<vmem>>[vector<16xi32>, vector<16xi32>], vector<16xf32>,
      %swap3A_880 = arith.constant 0 : i32
      %swap3A_881 = arith.constant 3 : i32
      %swap3A_882 = arith.index_cast %scan3A_31 : i32 to index
      %swap3A_883 = arith.index_cast %swap3A_880 : i32 to index
      %swap3A_884 = arith.index_cast %swap3A_881 : i32 to index
      %swap3A_885 = arith.constant 80 : index
      %swap3A_886 = tpu.vector_load %arg7[%swap3A_882, %swap3A_883, %swap3A_884, %swap3A_885] {strides = array<i32>} : memref<20x2x8x128xf32, #tpu.memory_space<vmem>>, vector<16xf32>,
      tpu.vector_store %arg7[%swap3A_882, %swap3A_883, %swap3A_884, %swap3A_885], %gather3A_879 {strides = array<i32>} : memref<20x2x8x128xf32, #tpu.memory_space<vmem>>, vector<16xf32>,
      %broadcast_in_dim3A_887 = arith.constant 4 : i32
      %broadcast_in_dim3A_888 = vector.broadcast %broadcast_in_dim3A_887 : i32 to vector<16xi32>
      %gather3A_889 = tpu.vector_load_idx %arg6[%get3A_846, %broadcast_in_dim3A_888] : memref<1000x16xf32, #tpu.memory_space<vmem>>[vector<16xi32>, vector<16xi32>], vector<16xf32>,
      %swap3A_890 = arith.constant 0 : i32
      %swap3A_891 = arith.constant 4 : i32
      %swap3A_892 = arith.index_cast %scan3A_31 : i32 to index
      %swap3A_893 = arith.index_cast %swap3A_890 : i32 to index
      %swap3A_894 = arith.index_cast %swap3A_891 : i32 to index
      %swap3A_895 = arith.constant 80 : index
      %swap3A_896 = tpu.vector_load %arg7[%swap3A_892, %swap3A_893, %swap3A_894, %swap3A_895] {strides = array<i32>} : memref<20x2x8x128xf32, #tpu.memory_space<vmem>>, vector<16xf32>,
      tpu.vector_store %arg7[%swap3A_892, %swap3A_893, %swap3A_894, %swap3A_895], %gather3A_889 {strides = array<i32>} : memref<20x2x8x128xf32, #tpu.memory_space<vmem>>, vector<16xf32>,
      %broadcast_in_dim3A_897 = arith.constant 5 : i32
      %broadcast_in_dim3A_898 = vector.broadcast %broadcast_in_dim3A_897 : i32 to vector<16xi32>
      %gather3A_899 = tpu.vector_load_idx %arg6[%get3A_846, %broadcast_in_dim3A_898] : memref<1000x16xf32, #tpu.memory_space<vmem>>[vector<16xi32>, vector<16xi32>], vector<16xf32>,
      %swap3A_900 = arith.constant 0 : i32
      %swap3A_901 = arith.constant 5 : i32
      %swap3A_902 = arith.index_cast %scan3A_31 : i32 to index
      %swap3A_903 = arith.index_cast %swap3A_900 : i32 to index
      %swap3A_904 = arith.index_cast %swap3A_901 : i32 to index
      %swap3A_905 = arith.constant 80 : index
      %swap3A_906 = tpu.vector_load %arg7[%swap3A_902, %swap3A_903, %swap3A_904, %swap3A_905] {strides = array<i32>} : memref<20x2x8x128xf32, #tpu.memory_space<vmem>>, vector<16xf32>,
      tpu.vector_store %arg7[%swap3A_902, %swap3A_903, %swap3A_904, %swap3A_905], %gather3A_899 {strides = array<i32>} : memref<20x2x8x128xf32, #tpu.memory_space<vmem>>, vector<16xf32>,
      %broadcast_in_dim3A_907 = arith.constant 6 : i32
      %broadcast_in_dim3A_908 = vector.broadcast %broadcast_in_dim3A_907 : i32 to vector<16xi32>
      %gather3A_909 = tpu.vector_load_idx %arg6[%get3A_846, %broadcast_in_dim3A_908] : memref<1000x16xf32, #tpu.memory_space<vmem>>[vector<16xi32>, vector<16xi32>], vector<16xf32>,
      %swap3A_910 = arith.constant 0 : i32
      %swap3A_911 = arith.constant 6 : i32
      %swap3A_912 = arith.index_cast %scan3A_31 : i32 to index
      %swap3A_913 = arith.index_cast %swap3A_910 : i32 to index
      %swap3A_914 = arith.index_cast %swap3A_911 : i32 to index
      %swap3A_915 = arith.constant 80 : index
      %swap3A_916 = tpu.vector_load %arg7[%swap3A_912, %swap3A_913, %swap3A_914, %swap3A_915] {strides = array<i32>} : memref<20x2x8x128xf32, #tpu.memory_space<vmem>>, vector<16xf32>,
      tpu.vector_store %arg7[%swap3A_912, %swap3A_913, %swap3A_914, %swap3A_915], %gather3A_909 {strides = array<i32>} : memref<20x2x8x128xf32, #tpu.memory_space<vmem>>, vector<16xf32>,
      %broadcast_in_dim3A_917 = arith.constant 7 : i32
      %broadcast_in_dim3A_918 = vector.broadcast %broadcast_in_dim3A_917 : i32 to vector<16xi32>
      %gather3A_919 = tpu.vector_load_idx %arg6[%get3A_846, %broadcast_in_dim3A_918] : memref<1000x16xf32, #tpu.memory_space<vmem>>[vector<16xi32>, vector<16xi32>], vector<16xf32>,
      %swap3A_920 = arith.constant 0 : i32
      %swap3A_921 = arith.constant 7 : i32
      %swap3A_922 = arith.index_cast %scan3A_31 : i32 to index
      %swap3A_923 = arith.index_cast %swap3A_920 : i32 to index
      %swap3A_924 = arith.index_cast %swap3A_921 : i32 to index
      %swap3A_925 = arith.constant 80 : index
      %swap3A_926 = tpu.vector_load %arg7[%swap3A_922, %swap3A_923, %swap3A_924, %swap3A_925] {strides = array<i32>} : memref<20x2x8x128xf32, #tpu.memory_space<vmem>>, vector<16xf32>,
      tpu.vector_store %arg7[%swap3A_922, %swap3A_923, %swap3A_924, %swap3A_925], %gather3A_919 {strides = array<i32>} : memref<20x2x8x128xf32, #tpu.memory_space<vmem>>, vector<16xf32>,
      %broadcast_in_dim3A_927 = arith.constant 8 : i32
      %broadcast_in_dim3A_928 = vector.broadcast %broadcast_in_dim3A_927 : i32 to vector<16xi32>
      %gather3A_929 = tpu.vector_load_idx %arg6[%get3A_846, %broadcast_in_dim3A_928] : memref<1000x16xf32, #tpu.memory_space<vmem>>[vector<16xi32>, vector<16xi32>], vector<16xf32>,
      %swap3A_930 = arith.constant 1 : i32
      %swap3A_931 = arith.constant 0 : i32
      %swap3A_932 = arith.index_cast %scan3A_31 : i32 to index
      %swap3A_933 = arith.index_cast %swap3A_930 : i32 to index
      %swap3A_934 = arith.index_cast %swap3A_931 : i32 to index
      %swap3A_935 = arith.constant 80 : index
      %swap3A_936 = tpu.vector_load %arg7[%swap3A_932, %swap3A_933, %swap3A_934, %swap3A_935] {strides = array<i32>} : memref<20x2x8x128xf32, #tpu.memory_space<vmem>>, vector<16xf32>,
      tpu.vector_store %arg7[%swap3A_932, %swap3A_933, %swap3A_934, %swap3A_935], %gather3A_929 {strides = array<i32>} : memref<20x2x8x128xf32, #tpu.memory_space<vmem>>, vector<16xf32>,
      %broadcast_in_dim3A_937 = arith.constant 9 : i32
      %broadcast_in_dim3A_938 = vector.broadcast %broadcast_in_dim3A_937 : i32 to vector<16xi32>
      %gather3A_939 = tpu.vector_load_idx %arg6[%get3A_846, %broadcast_in_dim3A_938] : memref<1000x16xf32, #tpu.memory_space<vmem>>[vector<16xi32>, vector<16xi32>], vector<16xf32>,
      %swap3A_940 = arith.constant 1 : i32
      %swap3A_941 = arith.constant 1 : i32
      %swap3A_942 = arith.index_cast %scan3A_31 : i32 to index
      %swap3A_943 = arith.index_cast %swap3A_940 : i32 to index
      %swap3A_944 = arith.index_cast %swap3A_941 : i32 to index
      %swap3A_945 = arith.constant 80 : index
      %swap3A_946 = tpu.vector_load %arg7[%swap3A_942, %swap3A_943, %swap3A_944, %swap3A_945] {strides = array<i32>} : memref<20x2x8x128xf32, #tpu.memory_space<vmem>>, vector<16xf32>,
      tpu.vector_store %arg7[%swap3A_942, %swap3A_943, %swap3A_944, %swap3A_945], %gather3A_939 {strides = array<i32>} : memref<20x2x8x128xf32, #tpu.memory_space<vmem>>, vector<16xf32>,
      %broadcast_in_dim3A_947 = arith.constant 10 : i32
      %broadcast_in_dim3A_948 = vector.broadcast %broadcast_in_dim3A_947 : i32 to vector<16xi32>
      %gather3A_949 = tpu.vector_load_idx %arg6[%get3A_846, %broadcast_in_dim3A_948] : memref<1000x16xf32, #tpu.memory_space<vmem>>[vector<16xi32>, vector<16xi32>], vector<16xf32>,
      %swap3A_950 = arith.constant 1 : i32
      %swap3A_951 = arith.constant 2 : i32
      %swap3A_952 = arith.index_cast %scan3A_31 : i32 to index
      %swap3A_953 = arith.index_cast %swap3A_950 : i32 to index
      %swap3A_954 = arith.index_cast %swap3A_951 : i32 to index
      %swap3A_955 = arith.constant 80 : index
      %swap3A_956 = tpu.vector_load %arg7[%swap3A_952, %swap3A_953, %swap3A_954, %swap3A_955] {strides = array<i32>} : memref<20x2x8x128xf32, #tpu.memory_space<vmem>>, vector<16xf32>,
      tpu.vector_store %arg7[%swap3A_952, %swap3A_953, %swap3A_954, %swap3A_955], %gather3A_949 {strides = array<i32>} : memref<20x2x8x128xf32, #tpu.memory_space<vmem>>, vector<16xf32>,
      %broadcast_in_dim3A_957 = arith.constant 11 : i32
      %broadcast_in_dim3A_958 = vector.broadcast %broadcast_in_dim3A_957 : i32 to vector<16xi32>
      %gather3A_959 = tpu.vector_load_idx %arg6[%get3A_846, %broadcast_in_dim3A_958] : memref<1000x16xf32, #tpu.memory_space<vmem>>[vector<16xi32>, vector<16xi32>], vector<16xf32>,
      %swap3A_960 = arith.constant 1 : i32
      %swap3A_961 = arith.constant 3 : i32
      %swap3A_962 = arith.index_cast %scan3A_31 : i32 to index
      %swap3A_963 = arith.index_cast %swap3A_960 : i32 to index
      %swap3A_964 = arith.index_cast %swap3A_961 : i32 to index
      %swap3A_965 = arith.constant 80 : index
      %swap3A_966 = tpu.vector_load %arg7[%swap3A_962, %swap3A_963, %swap3A_964, %swap3A_965] {strides = array<i32>} : memref<20x2x8x128xf32, #tpu.memory_space<vmem>>, vector<16xf32>,
      tpu.vector_store %arg7[%swap3A_962, %swap3A_963, %swap3A_964, %swap3A_965], %gather3A_959 {strides = array<i32>} : memref<20x2x8x128xf32, #tpu.memory_space<vmem>>, vector<16xf32>,
      %broadcast_in_dim3A_967 = arith.constant 12 : i32
      %broadcast_in_dim3A_968 = vector.broadcast %broadcast_in_dim3A_967 : i32 to vector<16xi32>
      %gather3A_969 = tpu.vector_load_idx %arg6[%get3A_846, %broadcast_in_dim3A_968] : memref<1000x16xf32, #tpu.memory_space<vmem>>[vector<16xi32>, vector<16xi32>], vector<16xf32>,
      %swap3A_970 = arith.constant 1 : i32
      %swap3A_971 = arith.constant 4 : i32
      %swap3A_972 = arith.index_cast %scan3A_31 : i32 to index
      %swap3A_973 = arith.index_cast %swap3A_970 : i32 to index
      %swap3A_974 = arith.index_cast %swap3A_971 : i32 to index
      %swap3A_975 = arith.constant 80 : index
      %swap3A_976 = tpu.vector_load %arg7[%swap3A_972, %swap3A_973, %swap3A_974, %swap3A_975] {strides = array<i32>} : memref<20x2x8x128xf32, #tpu.memory_space<vmem>>, vector<16xf32>,
      tpu.vector_store %arg7[%swap3A_972, %swap3A_973, %swap3A_974, %swap3A_975], %gather3A_969 {strides = array<i32>} : memref<20x2x8x128xf32, #tpu.memory_space<vmem>>, vector<16xf32>,
      %broadcast_in_dim3A_977 = arith.constant 13 : i32
      %broadcast_in_dim3A_978 = vector.broadcast %broadcast_in_dim3A_977 : i32 to vector<16xi32>
      %gather3A_979 = tpu.vector_load_idx %arg6[%get3A_846, %broadcast_in_dim3A_978] : memref<1000x16xf32, #tpu.memory_space<vmem>>[vector<16xi32>, vector<16xi32>], vector<16xf32>,
      %swap3A_980 = arith.constant 1 : i32
      %swap3A_981 = arith.constant 5 : i32
      %swap3A_982 = arith.index_cast %scan3A_31 : i32 to index
      %swap3A_983 = arith.index_cast %swap3A_980 : i32 to index
      %swap3A_984 = arith.index_cast %swap3A_981 : i32 to index
      %swap3A_985 = arith.constant 80 : index
      %swap3A_986 = tpu.vector_load %arg7[%swap3A_982, %swap3A_983, %swap3A_984, %swap3A_985] {strides = array<i32>} : memref<20x2x8x128xf32, #tpu.memory_space<vmem>>, vector<16xf32>,
      tpu.vector_store %arg7[%swap3A_982, %swap3A_983, %swap3A_984, %swap3A_985], %gather3A_979 {strides = array<i32>} : memref<20x2x8x128xf32, #tpu.memory_space<vmem>>, vector<16xf32>,
      %broadcast_in_dim3A_987 = arith.constant 14 : i32
      %broadcast_in_dim3A_988 = vector.broadcast %broadcast_in_dim3A_987 : i32 to vector<16xi32>
      %gather3A_989 = tpu.vector_load_idx %arg6[%get3A_846, %broadcast_in_dim3A_988] : memref<1000x16xf32, #tpu.memory_space<vmem>>[vector<16xi32>, vector<16xi32>], vector<16xf32>,
      %swap3A_990 = arith.constant 1 : i32
      %swap3A_991 = arith.constant 6 : i32
      %swap3A_992 = arith.index_cast %scan3A_31 : i32 to index
      %swap3A_993 = arith.index_cast %swap3A_990 : i32 to index
      %swap3A_994 = arith.index_cast %swap3A_991 : i32 to index
      %swap3A_995 = arith.constant 80 : index
      %swap3A_996 = tpu.vector_load %arg7[%swap3A_992, %swap3A_993, %swap3A_994, %swap3A_995] {strides = array<i32>} : memref<20x2x8x128xf32, #tpu.memory_space<vmem>>, vector<16xf32>,
      tpu.vector_store %arg7[%swap3A_992, %swap3A_993, %swap3A_994, %swap3A_995], %gather3A_989 {strides = array<i32>} : memref<20x2x8x128xf32, #tpu.memory_space<vmem>>, vector<16xf32>,
      %broadcast_in_dim3A_997 = arith.constant 15 : i32
      %broadcast_in_dim3A_998 = vector.broadcast %broadcast_in_dim3A_997 : i32 to vector<16xi32>
      %gather3A_999 = tpu.vector_load_idx %arg6[%get3A_846, %broadcast_in_dim3A_998] : memref<1000x16xf32, #tpu.memory_space<vmem>>[vector<16xi32>, vector<16xi32>], vector<16xf32>,
      %swap3A_1000 = arith.constant 1 : i32
      %swap3A_1001 = arith.constant 7 : i32
      %swap3A_1002 = arith.index_cast %scan3A_31 : i32 to index
      %swap3A_1003 = arith.index_cast %swap3A_1000 : i32 to index
      %swap3A_1004 = arith.index_cast %swap3A_1001 : i32 to index
      %swap3A_1005 = arith.constant 80 : index
      %swap3A_1006 = tpu.vector_load %arg7[%swap3A_1002, %swap3A_1003, %swap3A_1004, %swap3A_1005] {strides = array<i32>} : memref<20x2x8x128xf32, #tpu.memory_space<vmem>>, vector<16xf32>,
      tpu.vector_store %arg7[%swap3A_1002, %swap3A_1003, %swap3A_1004, %swap3A_1005], %gather3A_999 {strides = array<i32>} : memref<20x2x8x128xf32, #tpu.memory_space<vmem>>, vector<16xf32>,
      %get3A_1007 = arith.index_cast %scan3A_31 : i32 to index
      %get3A_1008 = arith.constant 96 : index
      %get3A_1009 = tpu.vector_load %arg5[%get3A_1007, %get3A_1008] {strides = array<i32>} : memref<20x128xi32, #tpu.memory_space<vmem>>, vector<16xi32>,
      %broadcast_in_dim3A_1010 = arith.constant 0 : i32
      %broadcast_in_dim3A_1011 = vector.broadcast %broadcast_in_dim3A_1010 : i32 to vector<16xi32>
      %gather3A_1012 = tpu.vector_load_idx %arg6[%get3A_1009, %broadcast_in_dim3A_1011] : memref<1000x16xf32, #tpu.memory_space<vmem>>[vector<16xi32>, vector<16xi32>], vector<16xf32>,
      %swap3A_1013 = arith.constant 0 : i32
      %swap3A_1014 = arith.constant 0 : i32
      %swap3A_1015 = arith.index_cast %scan3A_31 : i32 to index
      %swap3A_1016 = arith.index_cast %swap3A_1013 : i32 to index
      %swap3A_1017 = arith.index_cast %swap3A_1014 : i32 to index
      %swap3A_1018 = arith.constant 96 : index
      %swap3A_1019 = tpu.vector_load %arg7[%swap3A_1015, %swap3A_1016, %swap3A_1017, %swap3A_1018] {strides = array<i32>} : memref<20x2x8x128xf32, #tpu.memory_space<vmem>>, vector<16xf32>,
      tpu.vector_store %arg7[%swap3A_1015, %swap3A_1016, %swap3A_1017, %swap3A_1018], %gather3A_1012 {strides = array<i32>} : memref<20x2x8x128xf32, #tpu.memory_space<vmem>>, vector<16xf32>,
      %broadcast_in_dim3A_1020 = arith.constant 1 : i32
      %broadcast_in_dim3A_1021 = vector.broadcast %broadcast_in_dim3A_1020 : i32 to vector<16xi32>
      %gather3A_1022 = tpu.vector_load_idx %arg6[%get3A_1009, %broadcast_in_dim3A_1021] : memref<1000x16xf32, #tpu.memory_space<vmem>>[vector<16xi32>, vector<16xi32>], vector<16xf32>,
      %swap3A_1023 = arith.constant 0 : i32
      %swap3A_1024 = arith.constant 1 : i32
      %swap3A_1025 = arith.index_cast %scan3A_31 : i32 to index
      %swap3A_1026 = arith.index_cast %swap3A_1023 : i32 to index
      %swap3A_1027 = arith.index_cast %swap3A_1024 : i32 to index
      %swap3A_1028 = arith.constant 96 : index
      %swap3A_1029 = tpu.vector_load %arg7[%swap3A_1025, %swap3A_1026, %swap3A_1027, %swap3A_1028] {strides = array<i32>} : memref<20x2x8x128xf32, #tpu.memory_space<vmem>>, vector<16xf32>,
      tpu.vector_store %arg7[%swap3A_1025, %swap3A_1026, %swap3A_1027, %swap3A_1028], %gather3A_1022 {strides = array<i32>} : memref<20x2x8x128xf32, #tpu.memory_space<vmem>>, vector<16xf32>,
      %broadcast_in_dim3A_1030 = arith.constant 2 : i32
      %broadcast_in_dim3A_1031 = vector.broadcast %broadcast_in_dim3A_1030 : i32 to vector<16xi32>
      %gather3A_1032 = tpu.vector_load_idx %arg6[%get3A_1009, %broadcast_in_dim3A_1031] : memref<1000x16xf32, #tpu.memory_space<vmem>>[vector<16xi32>, vector<16xi32>], vector<16xf32>,
      %swap3A_1033 = arith.constant 0 : i32
      %swap3A_1034 = arith.constant 2 : i32
      %swap3A_1035 = arith.index_cast %scan3A_31 : i32 to index
      %swap3A_1036 = arith.index_cast %swap3A_1033 : i32 to index
      %swap3A_1037 = arith.index_cast %swap3A_1034 : i32 to index
      %swap3A_1038 = arith.constant 96 : index
      %swap3A_1039 = tpu.vector_load %arg7[%swap3A_1035, %swap3A_1036, %swap3A_1037, %swap3A_1038] {strides = array<i32>} : memref<20x2x8x128xf32, #tpu.memory_space<vmem>>, vector<16xf32>,
      tpu.vector_store %arg7[%swap3A_1035, %swap3A_1036, %swap3A_1037, %swap3A_1038], %gather3A_1032 {strides = array<i32>} : memref<20x2x8x128xf32, #tpu.memory_space<vmem>>, vector<16xf32>,
      %broadcast_in_dim3A_1040 = arith.constant 3 : i32
      %broadcast_in_dim3A_1041 = vector.broadcast %broadcast_in_dim3A_1040 : i32 to vector<16xi32>
      %gather3A_1042 = tpu.vector_load_idx %arg6[%get3A_1009, %broadcast_in_dim3A_1041] : memref<1000x16xf32, #tpu.memory_space<vmem>>[vector<16xi32>, vector<16xi32>], vector<16xf32>,
      %swap3A_1043 = arith.constant 0 : i32
      %swap3A_1044 = arith.constant 3 : i32
      %swap3A_1045 = arith.index_cast %scan3A_31 : i32 to index
      %swap3A_1046 = arith.index_cast %swap3A_1043 : i32 to index
      %swap3A_1047 = arith.index_cast %swap3A_1044 : i32 to index
      %swap3A_1048 = arith.constant 96 : index
      %swap3A_1049 = tpu.vector_load %arg7[%swap3A_1045, %swap3A_1046, %swap3A_1047, %swap3A_1048] {strides = array<i32>} : memref<20x2x8x128xf32, #tpu.memory_space<vmem>>, vector<16xf32>,
      tpu.vector_store %arg7[%swap3A_1045, %swap3A_1046, %swap3A_1047, %swap3A_1048], %gather3A_1042 {strides = array<i32>} : memref<20x2x8x128xf32, #tpu.memory_space<vmem>>, vector<16xf32>,
      %broadcast_in_dim3A_1050 = arith.constant 4 : i32
      %broadcast_in_dim3A_1051 = vector.broadcast %broadcast_in_dim3A_1050 : i32 to vector<16xi32>
      %gather3A_1052 = tpu.vector_load_idx %arg6[%get3A_1009, %broadcast_in_dim3A_1051] : memref<1000x16xf32, #tpu.memory_space<vmem>>[vector<16xi32>, vector<16xi32>], vector<16xf32>,
      %swap3A_1053 = arith.constant 0 : i32
      %swap3A_1054 = arith.constant 4 : i32
      %swap3A_1055 = arith.index_cast %scan3A_31 : i32 to index
      %swap3A_1056 = arith.index_cast %swap3A_1053 : i32 to index
      %swap3A_1057 = arith.index_cast %swap3A_1054 : i32 to index
      %swap3A_1058 = arith.constant 96 : index
      %swap3A_1059 = tpu.vector_load %arg7[%swap3A_1055, %swap3A_1056, %swap3A_1057, %swap3A_1058] {strides = array<i32>} : memref<20x2x8x128xf32, #tpu.memory_space<vmem>>, vector<16xf32>,
      tpu.vector_store %arg7[%swap3A_1055, %swap3A_1056, %swap3A_1057, %swap3A_1058], %gather3A_1052 {strides = array<i32>} : memref<20x2x8x128xf32, #tpu.memory_space<vmem>>, vector<16xf32>,
      %broadcast_in_dim3A_1060 = arith.constant 5 : i32
      %broadcast_in_dim3A_1061 = vector.broadcast %broadcast_in_dim3A_1060 : i32 to vector<16xi32>
      %gather3A_1062 = tpu.vector_load_idx %arg6[%get3A_1009, %broadcast_in_dim3A_1061] : memref<1000x16xf32, #tpu.memory_space<vmem>>[vector<16xi32>, vector<16xi32>], vector<16xf32>,
      %swap3A_1063 = arith.constant 0 : i32
      %swap3A_1064 = arith.constant 5 : i32
      %swap3A_1065 = arith.index_cast %scan3A_31 : i32 to index
      %swap3A_1066 = arith.index_cast %swap3A_1063 : i32 to index
      %swap3A_1067 = arith.index_cast %swap3A_1064 : i32 to index
      %swap3A_1068 = arith.constant 96 : index
      %swap3A_1069 = tpu.vector_load %arg7[%swap3A_1065, %swap3A_1066, %swap3A_1067, %swap3A_1068] {strides = array<i32>} : memref<20x2x8x128xf32, #tpu.memory_space<vmem>>, vector<16xf32>,
      tpu.vector_store %arg7[%swap3A_1065, %swap3A_1066, %swap3A_1067, %swap3A_1068], %gather3A_1062 {strides = array<i32>} : memref<20x2x8x128xf32, #tpu.memory_space<vmem>>, vector<16xf32>,
      %broadcast_in_dim3A_1070 = arith.constant 6 : i32
      %broadcast_in_dim3A_1071 = vector.broadcast %broadcast_in_dim3A_1070 : i32 to vector<16xi32>
      %gather3A_1072 = tpu.vector_load_idx %arg6[%get3A_1009, %broadcast_in_dim3A_1071] : memref<1000x16xf32, #tpu.memory_space<vmem>>[vector<16xi32>, vector<16xi32>], vector<16xf32>,
      %swap3A_1073 = arith.constant 0 : i32
      %swap3A_1074 = arith.constant 6 : i32
      %swap3A_1075 = arith.index_cast %scan3A_31 : i32 to index
      %swap3A_1076 = arith.index_cast %swap3A_1073 : i32 to index
      %swap3A_1077 = arith.index_cast %swap3A_1074 : i32 to index
      %swap3A_1078 = arith.constant 96 : index
      %swap3A_1079 = tpu.vector_load %arg7[%swap3A_1075, %swap3A_1076, %swap3A_1077, %swap3A_1078] {strides = array<i32>} : memref<20x2x8x128xf32, #tpu.memory_space<vmem>>, vector<16xf32>,
      tpu.vector_store %arg7[%swap3A_1075, %swap3A_1076, %swap3A_1077, %swap3A_1078], %gather3A_1072 {strides = array<i32>} : memref<20x2x8x128xf32, #tpu.memory_space<vmem>>, vector<16xf32>,
      %broadcast_in_dim3A_1080 = arith.constant 7 : i32
      %broadcast_in_dim3A_1081 = vector.broadcast %broadcast_in_dim3A_1080 : i32 to vector<16xi32>
      %gather3A_1082 = tpu.vector_load_idx %arg6[%get3A_1009, %broadcast_in_dim3A_1081] : memref<1000x16xf32, #tpu.memory_space<vmem>>[vector<16xi32>, vector<16xi32>], vector<16xf32>,
      %swap3A_1083 = arith.constant 0 : i32
      %swap3A_1084 = arith.constant 7 : i32
      %swap3A_1085 = arith.index_cast %scan3A_31 : i32 to index
      %swap3A_1086 = arith.index_cast %swap3A_1083 : i32 to index
      %swap3A_1087 = arith.index_cast %swap3A_1084 : i32 to index
      %swap3A_1088 = arith.constant 96 : index
      %swap3A_1089 = tpu.vector_load %arg7[%swap3A_1085, %swap3A_1086, %swap3A_1087, %swap3A_1088] {strides = array<i32>} : memref<20x2x8x128xf32, #tpu.memory_space<vmem>>, vector<16xf32>,
      tpu.vector_store %arg7[%swap3A_1085, %swap3A_1086, %swap3A_1087, %swap3A_1088], %gather3A_1082 {strides = array<i32>} : memref<20x2x8x128xf32, #tpu.memory_space<vmem>>, vector<16xf32>,
      %broadcast_in_dim3A_1090 = arith.constant 8 : i32
      %broadcast_in_dim3A_1091 = vector.broadcast %broadcast_in_dim3A_1090 : i32 to vector<16xi32>
      %gather3A_1092 = tpu.vector_load_idx %arg6[%get3A_1009, %broadcast_in_dim3A_1091] : memref<1000x16xf32, #tpu.memory_space<vmem>>[vector<16xi32>, vector<16xi32>], vector<16xf32>,
      %swap3A_1093 = arith.constant 1 : i32
      %swap3A_1094 = arith.constant 0 : i32
      %swap3A_1095 = arith.index_cast %scan3A_31 : i32 to index
      %swap3A_1096 = arith.index_cast %swap3A_1093 : i32 to index
      %swap3A_1097 = arith.index_cast %swap3A_1094 : i32 to index
      %swap3A_1098 = arith.constant 96 : index
      %swap3A_1099 = tpu.vector_load %arg7[%swap3A_1095, %swap3A_1096, %swap3A_1097, %swap3A_1098] {strides = array<i32>} : memref<20x2x8x128xf32, #tpu.memory_space<vmem>>, vector<16xf32>,
      tpu.vector_store %arg7[%swap3A_1095, %swap3A_1096, %swap3A_1097, %swap3A_1098], %gather3A_1092 {strides = array<i32>} : memref<20x2x8x128xf32, #tpu.memory_space<vmem>>, vector<16xf32>,
      %broadcast_in_dim3A_1100 = arith.constant 9 : i32
      %broadcast_in_dim3A_1101 = vector.broadcast %broadcast_in_dim3A_1100 : i32 to vector<16xi32>
      %gather3A_1102 = tpu.vector_load_idx %arg6[%get3A_1009, %broadcast_in_dim3A_1101] : memref<1000x16xf32, #tpu.memory_space<vmem>>[vector<16xi32>, vector<16xi32>], vector<16xf32>,
      %swap3A_1103 = arith.constant 1 : i32
      %swap3A_1104 = arith.constant 1 : i32
      %swap3A_1105 = arith.index_cast %scan3A_31 : i32 to index
      %swap3A_1106 = arith.index_cast %swap3A_1103 : i32 to index
      %swap3A_1107 = arith.index_cast %swap3A_1104 : i32 to index
      %swap3A_1108 = arith.constant 96 : index
      %swap3A_1109 = tpu.vector_load %arg7[%swap3A_1105, %swap3A_1106, %swap3A_1107, %swap3A_1108] {strides = array<i32>} : memref<20x2x8x128xf32, #tpu.memory_space<vmem>>, vector<16xf32>,
      tpu.vector_store %arg7[%swap3A_1105, %swap3A_1106, %swap3A_1107, %swap3A_1108], %gather3A_1102 {strides = array<i32>} : memref<20x2x8x128xf32, #tpu.memory_space<vmem>>, vector<16xf32>,
      %broadcast_in_dim3A_1110 = arith.constant 10 : i32
      %broadcast_in_dim3A_1111 = vector.broadcast %broadcast_in_dim3A_1110 : i32 to vector<16xi32>
      %gather3A_1112 = tpu.vector_load_idx %arg6[%get3A_1009, %broadcast_in_dim3A_1111] : memref<1000x16xf32, #tpu.memory_space<vmem>>[vector<16xi32>, vector<16xi32>], vector<16xf32>,
      %swap3A_1113 = arith.constant 1 : i32
      %swap3A_1114 = arith.constant 2 : i32
      %swap3A_1115 = arith.index_cast %scan3A_31 : i32 to index
      %swap3A_1116 = arith.index_cast %swap3A_1113 : i32 to index
      %swap3A_1117 = arith.index_cast %swap3A_1114 : i32 to index
      %swap3A_1118 = arith.constant 96 : index
      %swap3A_1119 = tpu.vector_load %arg7[%swap3A_1115, %swap3A_1116, %swap3A_1117, %swap3A_1118] {strides = array<i32>} : memref<20x2x8x128xf32, #tpu.memory_space<vmem>>, vector<16xf32>,
      tpu.vector_store %arg7[%swap3A_1115, %swap3A_1116, %swap3A_1117, %swap3A_1118], %gather3A_1112 {strides = array<i32>} : memref<20x2x8x128xf32, #tpu.memory_space<vmem>>, vector<16xf32>,
      %broadcast_in_dim3A_1120 = arith.constant 11 : i32
      %broadcast_in_dim3A_1121 = vector.broadcast %broadcast_in_dim3A_1120 : i32 to vector<16xi32>
      %gather3A_1122 = tpu.vector_load_idx %arg6[%get3A_1009, %broadcast_in_dim3A_1121] : memref<1000x16xf32, #tpu.memory_space<vmem>>[vector<16xi32>, vector<16xi32>], vector<16xf32>,
      %swap3A_1123 = arith.constant 1 : i32
      %swap3A_1124 = arith.constant 3 : i32
      %swap3A_1125 = arith.index_cast %scan3A_31 : i32 to index
      %swap3A_1126 = arith.index_cast %swap3A_1123 : i32 to index
      %swap3A_1127 = arith.index_cast %swap3A_1124 : i32 to index
      %swap3A_1128 = arith.constant 96 : index
      %swap3A_1129 = tpu.vector_load %arg7[%swap3A_1125, %swap3A_1126, %swap3A_1127, %swap3A_1128] {strides = array<i32>} : memref<20x2x8x128xf32, #tpu.memory_space<vmem>>, vector<16xf32>,
      tpu.vector_store %arg7[%swap3A_1125, %swap3A_1126, %swap3A_1127, %swap3A_1128], %gather3A_1122 {strides = array<i32>} : memref<20x2x8x128xf32, #tpu.memory_space<vmem>>, vector<16xf32>,
      %broadcast_in_dim3A_1130 = arith.constant 12 : i32
      %broadcast_in_dim3A_1131 = vector.broadcast %broadcast_in_dim3A_1130 : i32 to vector<16xi32>
      %gather3A_1132 = tpu.vector_load_idx %arg6[%get3A_1009, %broadcast_in_dim3A_1131] : memref<1000x16xf32, #tpu.memory_space<vmem>>[vector<16xi32>, vector<16xi32>], vector<16xf32>,
      %swap3A_1133 = arith.constant 1 : i32
      %swap3A_1134 = arith.constant 4 : i32
      %swap3A_1135 = arith.index_cast %scan3A_31 : i32 to index
      %swap3A_1136 = arith.index_cast %swap3A_1133 : i32 to index
      %swap3A_1137 = arith.index_cast %swap3A_1134 : i32 to index
      %swap3A_1138 = arith.constant 96 : index
      %swap3A_1139 = tpu.vector_load %arg7[%swap3A_1135, %swap3A_1136, %swap3A_1137, %swap3A_1138] {strides = array<i32>} : memref<20x2x8x128xf32, #tpu.memory_space<vmem>>, vector<16xf32>,
      tpu.vector_store %arg7[%swap3A_1135, %swap3A_1136, %swap3A_1137, %swap3A_1138], %gather3A_1132 {strides = array<i32>} : memref<20x2x8x128xf32, #tpu.memory_space<vmem>>, vector<16xf32>,
      %broadcast_in_dim3A_1140 = arith.constant 13 : i32
      %broadcast_in_dim3A_1141 = vector.broadcast %broadcast_in_dim3A_1140 : i32 to vector<16xi32>
      %gather3A_1142 = tpu.vector_load_idx %arg6[%get3A_1009, %broadcast_in_dim3A_1141] : memref<1000x16xf32, #tpu.memory_space<vmem>>[vector<16xi32>, vector<16xi32>], vector<16xf32>,
      %swap3A_1143 = arith.constant 1 : i32
      %swap3A_1144 = arith.constant 5 : i32
      %swap3A_1145 = arith.index_cast %scan3A_31 : i32 to index
      %swap3A_1146 = arith.index_cast %swap3A_1143 : i32 to index
      %swap3A_1147 = arith.index_cast %swap3A_1144 : i32 to index
      %swap3A_1148 = arith.constant 96 : index
      %swap3A_1149 = tpu.vector_load %arg7[%swap3A_1145, %swap3A_1146, %swap3A_1147, %swap3A_1148] {strides = array<i32>} : memref<20x2x8x128xf32, #tpu.memory_space<vmem>>, vector<16xf32>,
      tpu.vector_store %arg7[%swap3A_1145, %swap3A_1146, %swap3A_1147, %swap3A_1148], %gather3A_1142 {strides = array<i32>} : memref<20x2x8x128xf32, #tpu.memory_space<vmem>>, vector<16xf32>,
      %broadcast_in_dim3A_1150 = arith.constant 14 : i32
      %broadcast_in_dim3A_1151 = vector.broadcast %broadcast_in_dim3A_1150 : i32 to vector<16xi32>
      %gather3A_1152 = tpu.vector_load_idx %arg6[%get3A_1009, %broadcast_in_dim3A_1151] : memref<1000x16xf32, #tpu.memory_space<vmem>>[vector<16xi32>, vector<16xi32>], vector<16xf32>,
      %swap3A_1153 = arith.constant 1 : i32
      %swap3A_1154 = arith.constant 6 : i32
      %swap3A_1155 = arith.index_cast %scan3A_31 : i32 to index
      %swap3A_1156 = arith.index_cast %swap3A_1153 : i32 to index
      %swap3A_1157 = arith.index_cast %swap3A_1154 : i32 to index
      %swap3A_1158 = arith.constant 96 : index
      %swap3A_1159 = tpu.vector_load %arg7[%swap3A_1155, %swap3A_1156, %swap3A_1157, %swap3A_1158] {strides = array<i32>} : memref<20x2x8x128xf32, #tpu.memory_space<vmem>>, vector<16xf32>,
      tpu.vector_store %arg7[%swap3A_1155, %swap3A_1156, %swap3A_1157, %swap3A_1158], %gather3A_1152 {strides = array<i32>} : memref<20x2x8x128xf32, #tpu.memory_space<vmem>>, vector<16xf32>,
      %broadcast_in_dim3A_1160 = arith.constant 15 : i32
      %broadcast_in_dim3A_1161 = vector.broadcast %broadcast_in_dim3A_1160 : i32 to vector<16xi32>
      %gather3A_1162 = tpu.vector_load_idx %arg6[%get3A_1009, %broadcast_in_dim3A_1161] : memref<1000x16xf32, #tpu.memory_space<vmem>>[vector<16xi32>, vector<16xi32>], vector<16xf32>,
      %swap3A_1163 = arith.constant 1 : i32
      %swap3A_1164 = arith.constant 7 : i32
      %swap3A_1165 = arith.index_cast %scan3A_31 : i32 to index
      %swap3A_1166 = arith.index_cast %swap3A_1163 : i32 to index
      %swap3A_1167 = arith.index_cast %swap3A_1164 : i32 to index
      %swap3A_1168 = arith.constant 96 : index
      %swap3A_1169 = tpu.vector_load %arg7[%swap3A_1165, %swap3A_1166, %swap3A_1167, %swap3A_1168] {strides = array<i32>} : memref<20x2x8x128xf32, #tpu.memory_space<vmem>>, vector<16xf32>,
      tpu.vector_store %arg7[%swap3A_1165, %swap3A_1166, %swap3A_1167, %swap3A_1168], %gather3A_1162 {strides = array<i32>} : memref<20x2x8x128xf32, #tpu.memory_space<vmem>>, vector<16xf32>,
      %get3A_1170 = arith.index_cast %scan3A_31 : i32 to index
      %get3A_1171 = arith.constant 112 : index
      %get3A_1172 = tpu.vector_load %arg5[%get3A_1170, %get3A_1171] {strides = array<i32>} : memref<20x128xi32, #tpu.memory_space<vmem>>, vector<16xi32>,
      %broadcast_in_dim3A_1173 = arith.constant 0 : i32
      %broadcast_in_dim3A_1174 = vector.broadcast %broadcast_in_dim3A_1173 : i32 to vector<16xi32>
      %gather3A_1175 = tpu.vector_load_idx %arg6[%get3A_1172, %broadcast_in_dim3A_1174] : memref<1000x16xf32, #tpu.memory_space<vmem>>[vector<16xi32>, vector<16xi32>], vector<16xf32>,
      %swap3A_1176 = arith.constant 0 : i32
      %swap3A_1177 = arith.constant 0 : i32
      %swap3A_1178 = arith.index_cast %scan3A_31 : i32 to index
      %swap3A_1179 = arith.index_cast %swap3A_1176 : i32 to index
      %swap3A_1180 = arith.index_cast %swap3A_1177 : i32 to index
      %swap3A_1181 = arith.constant 112 : index
      %swap3A_1182 = tpu.vector_load %arg7[%swap3A_1178, %swap3A_1179, %swap3A_1180, %swap3A_1181] {strides = array<i32>} : memref<20x2x8x128xf32, #tpu.memory_space<vmem>>, vector<16xf32>,
      tpu.vector_store %arg7[%swap3A_1178, %swap3A_1179, %swap3A_1180, %swap3A_1181], %gather3A_1175 {strides = array<i32>} : memref<20x2x8x128xf32, #tpu.memory_space<vmem>>, vector<16xf32>,
      %broadcast_in_dim3A_1183 = arith.constant 1 : i32
      %broadcast_in_dim3A_1184 = vector.broadcast %broadcast_in_dim3A_1183 : i32 to vector<16xi32>
      %gather3A_1185 = tpu.vector_load_idx %arg6[%get3A_1172, %broadcast_in_dim3A_1184] : memref<1000x16xf32, #tpu.memory_space<vmem>>[vector<16xi32>, vector<16xi32>], vector<16xf32>,
      %swap3A_1186 = arith.constant 0 : i32
      %swap3A_1187 = arith.constant 1 : i32
      %swap3A_1188 = arith.index_cast %scan3A_31 : i32 to index
      %swap3A_1189 = arith.index_cast %swap3A_1186 : i32 to index
      %swap3A_1190 = arith.index_cast %swap3A_1187 : i32 to index
      %swap3A_1191 = arith.constant 112 : index
      %swap3A_1192 = tpu.vector_load %arg7[%swap3A_1188, %swap3A_1189, %swap3A_1190, %swap3A_1191] {strides = array<i32>} : memref<20x2x8x128xf32, #tpu.memory_space<vmem>>, vector<16xf32>,
      tpu.vector_store %arg7[%swap3A_1188, %swap3A_1189, %swap3A_1190, %swap3A_1191], %gather3A_1185 {strides = array<i32>} : memref<20x2x8x128xf32, #tpu.memory_space<vmem>>, vector<16xf32>,
      %broadcast_in_dim3A_1193 = arith.constant 2 : i32
      %broadcast_in_dim3A_1194 = vector.broadcast %broadcast_in_dim3A_1193 : i32 to vector<16xi32>
      %gather3A_1195 = tpu.vector_load_idx %arg6[%get3A_1172, %broadcast_in_dim3A_1194] : memref<1000x16xf32, #tpu.memory_space<vmem>>[vector<16xi32>, vector<16xi32>], vector<16xf32>,
      %swap3A_1196 = arith.constant 0 : i32
      %swap3A_1197 = arith.constant 2 : i32
      %swap3A_1198 = arith.index_cast %scan3A_31 : i32 to index
      %swap3A_1199 = arith.index_cast %swap3A_1196 : i32 to index
      %swap3A_1200 = arith.index_cast %swap3A_1197 : i32 to index
      %swap3A_1201 = arith.constant 112 : index
      %swap3A_1202 = tpu.vector_load %arg7[%swap3A_1198, %swap3A_1199, %swap3A_1200, %swap3A_1201] {strides = array<i32>} : memref<20x2x8x128xf32, #tpu.memory_space<vmem>>, vector<16xf32>,
      tpu.vector_store %arg7[%swap3A_1198, %swap3A_1199, %swap3A_1200, %swap3A_1201], %gather3A_1195 {strides = array<i32>} : memref<20x2x8x128xf32, #tpu.memory_space<vmem>>, vector<16xf32>,
      %broadcast_in_dim3A_1203 = arith.constant 3 : i32
      %broadcast_in_dim3A_1204 = vector.broadcast %broadcast_in_dim3A_1203 : i32 to vector<16xi32>
      %gather3A_1205 = tpu.vector_load_idx %arg6[%get3A_1172, %broadcast_in_dim3A_1204] : memref<1000x16xf32, #tpu.memory_space<vmem>>[vector<16xi32>, vector<16xi32>], vector<16xf32>,
      %swap3A_1206 = arith.constant 0 : i32
      %swap3A_1207 = arith.constant 3 : i32
      %swap3A_1208 = arith.index_cast %scan3A_31 : i32 to index
      %swap3A_1209 = arith.index_cast %swap3A_1206 : i32 to index
      %swap3A_1210 = arith.index_cast %swap3A_1207 : i32 to index
      %swap3A_1211 = arith.constant 112 : index
      %swap3A_1212 = tpu.vector_load %arg7[%swap3A_1208, %swap3A_1209, %swap3A_1210, %swap3A_1211] {strides = array<i32>} : memref<20x2x8x128xf32, #tpu.memory_space<vmem>>, vector<16xf32>,
      tpu.vector_store %arg7[%swap3A_1208, %swap3A_1209, %swap3A_1210, %swap3A_1211], %gather3A_1205 {strides = array<i32>} : memref<20x2x8x128xf32, #tpu.memory_space<vmem>>, vector<16xf32>,
      %broadcast_in_dim3A_1213 = arith.constant 4 : i32
      %broadcast_in_dim3A_1214 = vector.broadcast %broadcast_in_dim3A_1213 : i32 to vector<16xi32>
      %gather3A_1215 = tpu.vector_load_idx %arg6[%get3A_1172, %broadcast_in_dim3A_1214] : memref<1000x16xf32, #tpu.memory_space<vmem>>[vector<16xi32>, vector<16xi32>], vector<16xf32>,
      %swap3A_1216 = arith.constant 0 : i32
      %swap3A_1217 = arith.constant 4 : i32
      %swap3A_1218 = arith.index_cast %scan3A_31 : i32 to index
      %swap3A_1219 = arith.index_cast %swap3A_1216 : i32 to index
      %swap3A_1220 = arith.index_cast %swap3A_1217 : i32 to index
      %swap3A_1221 = arith.constant 112 : index
      %swap3A_1222 = tpu.vector_load %arg7[%swap3A_1218, %swap3A_1219, %swap3A_1220, %swap3A_1221] {strides = array<i32>} : memref<20x2x8x128xf32, #tpu.memory_space<vmem>>, vector<16xf32>,
      tpu.vector_store %arg7[%swap3A_1218, %swap3A_1219, %swap3A_1220, %swap3A_1221], %gather3A_1215 {strides = array<i32>} : memref<20x2x8x128xf32, #tpu.memory_space<vmem>>, vector<16xf32>,
      %broadcast_in_dim3A_1223 = arith.constant 5 : i32
      %broadcast_in_dim3A_1224 = vector.broadcast %broadcast_in_dim3A_1223 : i32 to vector<16xi32>
      %gather3A_1225 = tpu.vector_load_idx %arg6[%get3A_1172, %broadcast_in_dim3A_1224] : memref<1000x16xf32, #tpu.memory_space<vmem>>[vector<16xi32>, vector<16xi32>], vector<16xf32>,
      %swap3A_1226 = arith.constant 0 : i32
      %swap3A_1227 = arith.constant 5 : i32
      %swap3A_1228 = arith.index_cast %scan3A_31 : i32 to index
      %swap3A_1229 = arith.index_cast %swap3A_1226 : i32 to index
      %swap3A_1230 = arith.index_cast %swap3A_1227 : i32 to index
      %swap3A_1231 = arith.constant 112 : index
      %swap3A_1232 = tpu.vector_load %arg7[%swap3A_1228, %swap3A_1229, %swap3A_1230, %swap3A_1231] {strides = array<i32>} : memref<20x2x8x128xf32, #tpu.memory_space<vmem>>, vector<16xf32>,
      tpu.vector_store %arg7[%swap3A_1228, %swap3A_1229, %swap3A_1230, %swap3A_1231], %gather3A_1225 {strides = array<i32>} : memref<20x2x8x128xf32, #tpu.memory_space<vmem>>, vector<16xf32>,
      %broadcast_in_dim3A_1233 = arith.constant 6 : i32
      %broadcast_in_dim3A_1234 = vector.broadcast %broadcast_in_dim3A_1233 : i32 to vector<16xi32>
      %gather3A_1235 = tpu.vector_load_idx %arg6[%get3A_1172, %broadcast_in_dim3A_1234] : memref<1000x16xf32, #tpu.memory_space<vmem>>[vector<16xi32>, vector<16xi32>], vector<16xf32>,
      %swap3A_1236 = arith.constant 0 : i32
      %swap3A_1237 = arith.constant 6 : i32
      %swap3A_1238 = arith.index_cast %scan3A_31 : i32 to index
      %swap3A_1239 = arith.index_cast %swap3A_1236 : i32 to index
      %swap3A_1240 = arith.index_cast %swap3A_1237 : i32 to index
      %swap3A_1241 = arith.constant 112 : index
      %swap3A_1242 = tpu.vector_load %arg7[%swap3A_1238, %swap3A_1239, %swap3A_1240, %swap3A_1241] {strides = array<i32>} : memref<20x2x8x128xf32, #tpu.memory_space<vmem>>, vector<16xf32>,
      tpu.vector_store %arg7[%swap3A_1238, %swap3A_1239, %swap3A_1240, %swap3A_1241], %gather3A_1235 {strides = array<i32>} : memref<20x2x8x128xf32, #tpu.memory_space<vmem>>, vector<16xf32>,
      %broadcast_in_dim3A_1243 = arith.constant 7 : i32
      %broadcast_in_dim3A_1244 = vector.broadcast %broadcast_in_dim3A_1243 : i32 to vector<16xi32>
      %gather3A_1245 = tpu.vector_load_idx %arg6[%get3A_1172, %broadcast_in_dim3A_1244] : memref<1000x16xf32, #tpu.memory_space<vmem>>[vector<16xi32>, vector<16xi32>], vector<16xf32>,
      %swap3A_1246 = arith.constant 0 : i32
      %swap3A_1247 = arith.constant 7 : i32
      %swap3A_1248 = arith.index_cast %scan3A_31 : i32 to index
      %swap3A_1249 = arith.index_cast %swap3A_1246 : i32 to index
      %swap3A_1250 = arith.index_cast %swap3A_1247 : i32 to index
      %swap3A_1251 = arith.constant 112 : index
      %swap3A_1252 = tpu.vector_load %arg7[%swap3A_1248, %swap3A_1249, %swap3A_1250, %swap3A_1251] {strides = array<i32>} : memref<20x2x8x128xf32, #tpu.memory_space<vmem>>, vector<16xf32>,
      tpu.vector_store %arg7[%swap3A_1248, %swap3A_1249, %swap3A_1250, %swap3A_1251], %gather3A_1245 {strides = array<i32>} : memref<20x2x8x128xf32, #tpu.memory_space<vmem>>, vector<16xf32>,
      %broadcast_in_dim3A_1253 = arith.constant 8 : i32
      %broadcast_in_dim3A_1254 = vector.broadcast %broadcast_in_dim3A_1253 : i32 to vector<16xi32>
      %gather3A_1255 = tpu.vector_load_idx %arg6[%get3A_1172, %broadcast_in_dim3A_1254] : memref<1000x16xf32, #tpu.memory_space<vmem>>[vector<16xi32>, vector<16xi32>], vector<16xf32>,
      %swap3A_1256 = arith.constant 1 : i32
      %swap3A_1257 = arith.constant 0 : i32
      %swap3A_1258 = arith.index_cast %scan3A_31 : i32 to index
      %swap3A_1259 = arith.index_cast %swap3A_1256 : i32 to index
      %swap3A_1260 = arith.index_cast %swap3A_1257 : i32 to index
      %swap3A_1261 = arith.constant 112 : index
      %swap3A_1262 = tpu.vector_load %arg7[%swap3A_1258, %swap3A_1259, %swap3A_1260, %swap3A_1261] {strides = array<i32>} : memref<20x2x8x128xf32, #tpu.memory_space<vmem>>, vector<16xf32>,
      tpu.vector_store %arg7[%swap3A_1258, %swap3A_1259, %swap3A_1260, %swap3A_1261], %gather3A_1255 {strides = array<i32>} : memref<20x2x8x128xf32, #tpu.memory_space<vmem>>, vector<16xf32>,
      %broadcast_in_dim3A_1263 = arith.constant 9 : i32
      %broadcast_in_dim3A_1264 = vector.broadcast %broadcast_in_dim3A_1263 : i32 to vector<16xi32>
      %gather3A_1265 = tpu.vector_load_idx %arg6[%get3A_1172, %broadcast_in_dim3A_1264] : memref<1000x16xf32, #tpu.memory_space<vmem>>[vector<16xi32>, vector<16xi32>], vector<16xf32>,
      %swap3A_1266 = arith.constant 1 : i32
      %swap3A_1267 = arith.constant 1 : i32
      %swap3A_1268 = arith.index_cast %scan3A_31 : i32 to index
      %swap3A_1269 = arith.index_cast %swap3A_1266 : i32 to index
      %swap3A_1270 = arith.index_cast %swap3A_1267 : i32 to index
      %swap3A_1271 = arith.constant 112 : index
      %swap3A_1272 = tpu.vector_load %arg7[%swap3A_1268, %swap3A_1269, %swap3A_1270, %swap3A_1271] {strides = array<i32>} : memref<20x2x8x128xf32, #tpu.memory_space<vmem>>, vector<16xf32>,
      tpu.vector_store %arg7[%swap3A_1268, %swap3A_1269, %swap3A_1270, %swap3A_1271], %gather3A_1265 {strides = array<i32>} : memref<20x2x8x128xf32, #tpu.memory_space<vmem>>, vector<16xf32>,
      %broadcast_in_dim3A_1273 = arith.constant 10 : i32
      %broadcast_in_dim3A_1274 = vector.broadcast %broadcast_in_dim3A_1273 : i32 to vector<16xi32>
      %gather3A_1275 = tpu.vector_load_idx %arg6[%get3A_1172, %broadcast_in_dim3A_1274] : memref<1000x16xf32, #tpu.memory_space<vmem>>[vector<16xi32>, vector<16xi32>], vector<16xf32>,
      %swap3A_1276 = arith.constant 1 : i32
      %swap3A_1277 = arith.constant 2 : i32
      %swap3A_1278 = arith.index_cast %scan3A_31 : i32 to index
      %swap3A_1279 = arith.index_cast %swap3A_1276 : i32 to index
      %swap3A_1280 = arith.index_cast %swap3A_1277 : i32 to index
      %swap3A_1281 = arith.constant 112 : index
      %swap3A_1282 = tpu.vector_load %arg7[%swap3A_1278, %swap3A_1279, %swap3A_1280, %swap3A_1281] {strides = array<i32>} : memref<20x2x8x128xf32, #tpu.memory_space<vmem>>, vector<16xf32>,
      tpu.vector_store %arg7[%swap3A_1278, %swap3A_1279, %swap3A_1280, %swap3A_1281], %gather3A_1275 {strides = array<i32>} : memref<20x2x8x128xf32, #tpu.memory_space<vmem>>, vector<16xf32>,
      %broadcast_in_dim3A_1283 = arith.constant 11 : i32
      %broadcast_in_dim3A_1284 = vector.broadcast %broadcast_in_dim3A_1283 : i32 to vector<16xi32>
      %gather3A_1285 = tpu.vector_load_idx %arg6[%get3A_1172, %broadcast_in_dim3A_1284] : memref<1000x16xf32, #tpu.memory_space<vmem>>[vector<16xi32>, vector<16xi32>], vector<16xf32>,
      %swap3A_1286 = arith.constant 1 : i32
      %swap3A_1287 = arith.constant 3 : i32
      %swap3A_1288 = arith.index_cast %scan3A_31 : i32 to index
      %swap3A_1289 = arith.index_cast %swap3A_1286 : i32 to index
      %swap3A_1290 = arith.index_cast %swap3A_1287 : i32 to index
      %swap3A_1291 = arith.constant 112 : index
      %swap3A_1292 = tpu.vector_load %arg7[%swap3A_1288, %swap3A_1289, %swap3A_1290, %swap3A_1291] {strides = array<i32>} : memref<20x2x8x128xf32, #tpu.memory_space<vmem>>, vector<16xf32>,
      tpu.vector_store %arg7[%swap3A_1288, %swap3A_1289, %swap3A_1290, %swap3A_1291], %gather3A_1285 {strides = array<i32>} : memref<20x2x8x128xf32, #tpu.memory_space<vmem>>, vector<16xf32>,
      %broadcast_in_dim3A_1293 = arith.constant 12 : i32
      %broadcast_in_dim3A_1294 = vector.broadcast %broadcast_in_dim3A_1293 : i32 to vector<16xi32>
      %gather3A_1295 = tpu.vector_load_idx %arg6[%get3A_1172, %broadcast_in_dim3A_1294] : memref<1000x16xf32, #tpu.memory_space<vmem>>[vector<16xi32>, vector<16xi32>], vector<16xf32>,
      %swap3A_1296 = arith.constant 1 : i32
      %swap3A_1297 = arith.constant 4 : i32
      %swap3A_1298 = arith.index_cast %scan3A_31 : i32 to index
      %swap3A_1299 = arith.index_cast %swap3A_1296 : i32 to index
      %swap3A_1300 = arith.index_cast %swap3A_1297 : i32 to index
      %swap3A_1301 = arith.constant 112 : index
      %swap3A_1302 = tpu.vector_load %arg7[%swap3A_1298, %swap3A_1299, %swap3A_1300, %swap3A_1301] {strides = array<i32>} : memref<20x2x8x128xf32, #tpu.memory_space<vmem>>, vector<16xf32>,
      tpu.vector_store %arg7[%swap3A_1298, %swap3A_1299, %swap3A_1300, %swap3A_1301], %gather3A_1295 {strides = array<i32>} : memref<20x2x8x128xf32, #tpu.memory_space<vmem>>, vector<16xf32>,
      %broadcast_in_dim3A_1303 = arith.constant 13 : i32
      %broadcast_in_dim3A_1304 = vector.broadcast %broadcast_in_dim3A_1303 : i32 to vector<16xi32>
      %gather3A_1305 = tpu.vector_load_idx %arg6[%get3A_1172, %broadcast_in_dim3A_1304] : memref<1000x16xf32, #tpu.memory_space<vmem>>[vector<16xi32>, vector<16xi32>], vector<16xf32>,
      %swap3A_1306 = arith.constant 1 : i32
      %swap3A_1307 = arith.constant 5 : i32
      %swap3A_1308 = arith.index_cast %scan3A_31 : i32 to index
      %swap3A_1309 = arith.index_cast %swap3A_1306 : i32 to index
      %swap3A_1310 = arith.index_cast %swap3A_1307 : i32 to index
      %swap3A_1311 = arith.constant 112 : index
      %swap3A_1312 = tpu.vector_load %arg7[%swap3A_1308, %swap3A_1309, %swap3A_1310, %swap3A_1311] {strides = array<i32>} : memref<20x2x8x128xf32, #tpu.memory_space<vmem>>, vector<16xf32>,
      tpu.vector_store %arg7[%swap3A_1308, %swap3A_1309, %swap3A_1310, %swap3A_1311], %gather3A_1305 {strides = array<i32>} : memref<20x2x8x128xf32, #tpu.memory_space<vmem>>, vector<16xf32>,
      %broadcast_in_dim3A_1313 = arith.constant 14 : i32
      %broadcast_in_dim3A_1314 = vector.broadcast %broadcast_in_dim3A_1313 : i32 to vector<16xi32>
      %gather3A_1315 = tpu.vector_load_idx %arg6[%get3A_1172, %broadcast_in_dim3A_1314] : memref<1000x16xf32, #tpu.memory_space<vmem>>[vector<16xi32>, vector<16xi32>], vector<16xf32>,
      %swap3A_1316 = arith.constant 1 : i32
      %swap3A_1317 = arith.constant 6 : i32
      %swap3A_1318 = arith.index_cast %scan3A_31 : i32 to index
      %swap3A_1319 = arith.index_cast %swap3A_1316 : i32 to index
      %swap3A_1320 = arith.index_cast %swap3A_1317 : i32 to index
      %swap3A_1321 = arith.constant 112 : index
      %swap3A_1322 = tpu.vector_load %arg7[%swap3A_1318, %swap3A_1319, %swap3A_1320, %swap3A_1321] {strides = array<i32>} : memref<20x2x8x128xf32, #tpu.memory_space<vmem>>, vector<16xf32>,
      tpu.vector_store %arg7[%swap3A_1318, %swap3A_1319, %swap3A_1320, %swap3A_1321], %gather3A_1315 {strides = array<i32>} : memref<20x2x8x128xf32, #tpu.memory_space<vmem>>, vector<16xf32>,
      %broadcast_in_dim3A_1323 = arith.constant 15 : i32
      %broadcast_in_dim3A_1324 = vector.broadcast %broadcast_in_dim3A_1323 : i32 to vector<16xi32>
      %gather3A_1325 = tpu.vector_load_idx %arg6[%get3A_1172, %broadcast_in_dim3A_1324] : memref<1000x16xf32, #tpu.memory_space<vmem>>[vector<16xi32>, vector<16xi32>], vector<16xf32>,
      %swap3A_1326 = arith.constant 1 : i32
      %swap3A_1327 = arith.constant 7 : i32
      %swap3A_1328 = arith.index_cast %scan3A_31 : i32 to index
      %swap3A_1329 = arith.index_cast %swap3A_1326 : i32 to index
      %swap3A_1330 = arith.index_cast %swap3A_1327 : i32 to index
      %swap3A_1331 = arith.constant 112 : index
      %swap3A_1332 = tpu.vector_load %arg7[%swap3A_1328, %swap3A_1329, %swap3A_1330, %swap3A_1331] {strides = array<i32>} : memref<20x2x8x128xf32, #tpu.memory_space<vmem>>, vector<16xf32>,
      tpu.vector_store %arg7[%swap3A_1328, %swap3A_1329, %swap3A_1330, %swap3A_1331], %gather3A_1325 {strides = array<i32>} : memref<20x2x8x128xf32, #tpu.memory_space<vmem>>, vector<16xf32>,
      %scan3A_1333 = arith.constant 0 : i32
      scf.yield %scan3A_1333 : i32
    }
    %scan3A_8 = arith.constant 20 : i32
    %dma_start3A = arith.constant 0 : i32
    %dma_start3A_9 = arith.constant 0 : i32
    %dma_start3A_10 = arith.constant 0 : i32
    %dma_start3A_11 = arith.constant 0 : i32
    %dma_start3A_12 = tpu.memref_slice %arg4[%dma_start3A, %dma_start3A_9, %add3A, %dma_start3A_10, %dma_start3A_11] : memref<20x2x32x8x128xf32, #tpu.memory_space<hbm>> -> memref<20x2x1x8x128xf32, #tpu.memory_space<hbm>>
    %dma_start3A_13 = tpu.memref_squeeze %dma_start3A_12 : memref<20x2x1x8x128xf32, #tpu.memory_space<hbm>> -> memref<20x2x8x128xf32, #tpu.memory_space<hbm>>
    %dma_start3A_14 = arith.constant 0 : i32
    %dma_start3A_15 = arith.constant 0 : i32
    %dma_start3A_16 = arith.constant 0 : i32
    %dma_start3A_17 = arith.constant 0 : i32
    %dma_start3A_18 = tpu.memref_slice %arg4[%dma_start3A_14, %dma_start3A_15, %add3A, %dma_start3A_16, %dma_start3A_17] : memref<20x2x32x8x128xf32, #tpu.memory_space<hbm>> -> memref<20x2x1x8x128xf32, #tpu.memory_space<hbm>>
    %dma_start3A_19 = tpu.memref_squeeze %dma_start3A_18 : memref<20x2x1x8x128xf32, #tpu.memory_space<hbm>> -> memref<20x2x8x128xf32, #tpu.memory_space<hbm>>
    tpu.enqueue_dma source(%arg7 : memref<20x2x8x128xf32, #tpu.memory_space<vmem>>) target(%dma_start3A_19 : memref<20x2x8x128xf32, #tpu.memory_space<hbm>>) target_semaphore(%arg8 : memref<!tpu.dma_semaphore, #tpu.memory_space<semaphore_mem>>)
    %dma_wait3A = arith.constant 0 : i32
    %dma_wait3A_20 = arith.constant 0 : i32
    %dma_wait3A_21 = arith.constant 0 : i32
    %dma_wait3A_22 = arith.constant 0 : i32
    %dma_wait3A_23 = tpu.memref_slice %arg4[%dma_wait3A, %dma_wait3A_20, %add3A, %dma_wait3A_21, %dma_wait3A_22] : memref<20x2x32x8x128xf32, #tpu.memory_space<hbm>> -> memref<20x2x1x8x128xf32, #tpu.memory_space<hbm>>
    %dma_wait3A_24 = tpu.memref_squeeze %dma_wait3A_23 : memref<20x2x1x8x128xf32, #tpu.memory_space<hbm>> -> memref<20x2x8x128xf32, #tpu.memory_space<hbm>>
    %dma_wait3A_25 = arith.constant 0 : i32
    %dma_wait3A_26 = arith.constant 0 : i32
    %dma_wait3A_27 = arith.constant 0 : i32
    %dma_wait3A_28 = arith.constant 0 : i32
    %dma_wait3A_29 = tpu.memref_slice %arg4[%dma_wait3A_25, %dma_wait3A_26, %add3A, %dma_wait3A_27, %dma_wait3A_28] : memref<20x2x32x8x128xf32, #tpu.memory_space<hbm>> -> memref<20x2x1x8x128xf32, #tpu.memory_space<hbm>>
    %dma_wait3A_30 = tpu.memref_squeeze %dma_wait3A_29 : memref<20x2x1x8x128xf32, #tpu.memory_space<hbm>> -> memref<20x2x8x128xf32, #tpu.memory_space<hbm>>
    tpu.wait_dma2 semaphore(%arg8 : memref<!tpu.dma_semaphore, #tpu.memory_space<semaphore_mem>>) src(%arg7 : memref<20x2x8x128xf32, #tpu.memory_space<vmem>>) dst(%dma_wait3A_30 : memref<20x2x8x128xf32, #tpu.memory_space<hbm>>)
    return
  }
}

module attributes {stable_mosaic.version = 14 : i64} {
  func.func @_proj_body(%arg0: i32, %arg1: i32, %arg2: memref<16x1000xf32, #tpu.memory_space<vmem>>, %arg3: memref<1000x1xf32, #tpu.memory_space<vmem>>, %arg4: memref<1x16x2048xf32, #tpu.memory_space<vmem>>, %arg5: memref<1x1000x2048xf32, #tpu.memory_space<vmem>>) attributes {dimension_semantics = [#tpu.dimension_semantics<arbitrary>, #tpu.dimension_semantics<arbitrary>], iteration_bounds = array<i64: 20, 2>, scalar_prefetch = 0 : i64, scratch_operands = 0 : i64, tpu.core_type = #tpu.core_type<tc>, window_params = [{pipeline_mode = #tpu.pipeline_mode<synchronous>, transform_indices = @transform_0, window_bounds = array<i64: 16, 1000>}, {pipeline_mode = #tpu.pipeline_mode<synchronous>, transform_indices = @transform_1, window_bounds = array<i64: 1000, 1>}, {transform_indices = @transform_2, window_bounds = array<i64: 1, 16, 2048>}, {transform_indices = @transform_3, window_bounds = array<i64: 1, 1000, 2048>}]} {
    %get3A = arith.constant 0 : index
    %get3A_0 = arith.constant 0 : index
    %get3A_1 = arith.constant 0 : index
    %get3A_2 = vector.load %arg4[%get3A, %get3A_0, %get3A_1] : memref<1x16x2048xf32, #tpu.memory_space<vmem>>, vector<1x16x2048xf32>
    %get3A_3 = vector.shape_cast %get3A_2 : vector<1x16x2048xf32> to vector<16x2048xf32>
    %get3A_4 = arith.constant 0 : index
    %get3A_5 = arith.constant 0 : index
    %get3A_6 = vector.load %arg2[%get3A_4, %get3A_5] : memref<16x1000xf32, #tpu.memory_space<vmem>>, vector<16x1000xf32>
    %dot_general3A = arith.constant dense<0.000000e+00> : vector<1000x2048xf32>
    %dot_general3A_7 = tpu.matmul %get3A_6, %get3A_3, %dot_general3A {dimension_numbers = #tpu.dot_dimension_numbers<[0], [0], [1], [1], [0, 1, 1, 1], [], []>, transpose_lhs_hint = false} : vector<16x1000xf32>, vector<16x2048xf32>, vector<1000x2048xf32> -> vector<1000x2048xf32>
    %get3A_8 = arith.constant 0 : index
    %get3A_9 = arith.constant 0 : index
    %get3A_10 = vector.load %arg3[%get3A_8, %get3A_9] : memref<1000x1xf32, #tpu.memory_space<vmem>>, vector<1000x1xf32>
    %add3A = vector.broadcast %get3A_10 : vector<1000x1xf32> to vector<1000x2048xf32>
    %add3A_11 = arith.addf %dot_general3A_7, %add3A : vector<1000x2048xf32>
    %swap3A = arith.constant 0 : index
    %swap3A_12 = arith.constant 0 : index
    %swap3A_13 = arith.constant 0 : index
    %swap3A_14 = vector.load %arg5[%swap3A, %swap3A_12, %swap3A_13] : memref<1x1000x2048xf32, #tpu.memory_space<vmem>>, vector<1x1000x2048xf32>
    %swap3A_15 = vector.shape_cast %swap3A_14 : vector<1x1000x2048xf32> to vector<1000x2048xf32>
    %swap3A_16 = vector.shape_cast %add3A_11 : vector<1000x2048xf32> to vector<1x1000x2048xf32>
    tpu.vector_store %arg5[%swap3A, %swap3A_12, %swap3A_13], %swap3A_16 {strides = array<i32>} : memref<1x1000x2048xf32, #tpu.memory_space<vmem>>, vector<1x1000x2048xf32>,
    return
  }
  func.func @transform_0(%arg0: i32, %arg1: i32) -> (i32, i32) {
    %c0_i32 = arith.constant 0 : i32
    %c0_i32_0 = arith.constant 0 : i32
    %c0_i32_1 = arith.constant 0 : i32
    return %c0_i32, %c0_i32_0 : i32, i32
  }
  func.func @transform_1(%arg0: i32, %arg1: i32) -> (i32, i32) {
    %c0_i32 = arith.constant 0 : i32
    %c0_i32_0 = arith.constant 0 : i32
    %c0_i32_1 = arith.constant 0 : i32
    return %c0_i32, %c0_i32_0 : i32, i32
  }
  func.func @transform_2(%arg0: i32, %arg1: i32) -> (i32, i32, i32) {
    %c0_i32 = arith.constant 0 : i32
    %c0_i32_0 = arith.constant 0 : i32
    return %arg0, %c0_i32, %arg1 : i32, i32, i32
  }
  func.func @transform_3(%arg0: i32, %arg1: i32) -> (i32, i32, i32) {
    %c0_i32 = arith.constant 0 : i32
    %c0_i32_0 = arith.constant 0 : i32
    return %arg0, %c0_i32, %arg1 : i32, i32, i32
  }
}

</mosaic_0001>

<sc_bundles>
// kernel: kernel.4.cloned.1.call-start
scs
__scs_entry_jumppad:
0x0: {  	(pc) =	sbr.rel $0x88, $3  }
0x1: {  	(tag) =	ssettag $0x0;
	lr =	simm.s32 $0x1  }
0x2: {  	[smem:$0x3F9D] =	sst lr;
	_ =	strace $0xD0000000  }
0x3: {  	_ = 	snop  }
0x4: {  	_ = 	snop  }
0x5: {  	_ = 	snop  }
0x6: {  	_ = 	snop  }
0x7: {  	_ = 	snop  }
__scs_overlays_trampoline_lowered:
0x8: {  	[smem:$0x3FAC] =	sst s0  }
0x9: {  	[smem:$0x3FAD] =	sst s1  }
0xa: {  	[smem:$0x3FAE] =	sst s2  }
0xb: {  	[smem:$0x3FAF] =	sst s3  }
0xc: {  	[smem:$0x3FB0] =	sst s4  }
0xd: {  	[smem:$0x3FB1] =	sst s5  }
0xe: {  	[smem:$0x3FB2] =	sst s6  }
0xf: {  	[smem:$0x3FB3] =	sst s7  }
0x10: {  	[smem:$0x3FB4] =	sst s8  }
0x11: {  	[smem:$0x3FB5] =	sst s9;
	s0 =	simm.s32 @!p0 $0x0  }
0x12: {  	s1 =	sld [smem:$0x3F9B];
	s0 =	simm.s32 @p0 $0x1  }
0x13: {  	[smem:$0x3FB6] =	sst s0;
	s0 =	simm.s32 @!p1 $0x0  }
0x14: {  	s2 =	sld [smem:$0x3F9A];
	s0 =	simm.s32 @p1 $0x1  }
0x15: {  	[smem:$0x3FB7] =	sst s0;
	s0 =	simm.s32 @!p2 $0x0  }
0x16: {  	s3 =	sld [smem:$0x3FDB];
	s0 =	simm.s32 @p2 $0x1  }
0x17: {  	s4 =	simm.s32 $0x1BF5;
	[smem:$0x3FB9] =	sst s0  }
0x18: {  	s0 =	sld [smem:$0x3F9C];
	_ =	swait.ge [sflag:s4], $0x0  }
0x19: {  	s7 =	sld [smem:$0x3F9D]  }
0x1a: {  	s8 =	sadd.s32 $0xFFFFE003, lr  }
0x1b: {  	s9 =	sadd.s32 $0xFFFFFEF7, lr;
	s5 =	simm.s32 $0xFFFFFFFF;
	p2 =	slt.u32 s8, $0xFFFFF086  }
0x1c: {  	p1 =	slt.u32 s9, $0xF7A;
	s5 =	simm.s32 @!p2 $0x0  }
0x1d: {  	s5 =	simm.s32 @p1 $0x1;
	p0 =	seq.s32 s7, s2  }
0x1e: {  	s7 =	smul.u32 @!p0 $0xF7A, s2;
	p2 =	seq.s32 @!p0 s5, $0x0  }
0x1f: {  	s9 =	smul.u32 $0xF7A, s1;
	s8 =	simm.s32 @!p0 $0x1BF5;
	p2 =	por !p2, p0  }
0x20: {  	[sflag:s8] =	ssyncset.s32 @!p0 $0xFFFFF086;
	s6 =	sadd.s32 @!p0 s3, s7;
	s7 =	simm.s32 @!p0 $0x108  }
0x21: {  	s3 =	sadd.s32 s3, s9;
	s6 =	sadd.s32 @!p0 $0x88, s6;
	s7 =	simm.s32 @p2 $0x1082  }
0x22: {  	[simem:s7], [sflag:s8] =	dma.local @!p0 [hbm:s6], $0xF7A  }
0x23: {  	s9 =	sor.u32 $0xD0000000, s2;
	s6 =	simm.s32 $0x108;
	_ =	swait.ge @!p0 [sflag:s8], $0x0  }
0x24: {  	s3 =	sadd.s32 $0x88, s3;
	s6 =	simm.s32 @!p1 $0x1082;
	[sflag:s4] =	ssyncset.s32 $0xFFFFF086  }
0x25: {  	[simem:s6], [sflag:s4] =	dma.local [hbm:s3], $0xF7A  }
0x26: {  	[smem:$0x3F9D] =	sst s1;
	(tag) =	ssettag s2;
	_ =	strace s9  }
0x27: {  	s1 =	sld [smem:$0x3FAD]  }
0x28: {  	s2 =	sld [smem:$0x3FAE]  }
0x29: {  	s4 =	sld [smem:$0x3FB0]  }
0x2a: {  	p0 =	seq.s32 s5, $0x0;
	s5 =	sld [smem:$0x3FB1]  }
0x2b: {  	s6 =	sld [smem:$0x3FB2]  }
0x2c: {  	s7 =	sld [smem:$0x3FB3]  }
0x2d: {  	s3 =	simm.s32 $0x108;
	s8 =	sld [smem:$0x3FB4]  }
0x2e: {  	s3 =	simm.s32 @!p0 $0x1082;
	s9 =	sld [smem:$0x3FB5]  }
0x2f: {  	lr =	sadd.s32 s0, s3;
	s0 =	sld [smem:$0x3FAC]  }
0x30: {  	s3 =	sld [smem:$0x3FAF]  }
0x31: {  	[smem:$0x3FB8] =	sst s10  }
0x32: {  	s10 =	sld [smem:$0x3FB6];
	_ =	sdelay $0x3  }
0x33: {  	p0 =	seq.s32 s10, $0x1;
	s10 =	sld [smem:$0x3FB8];
	_ =	sdelay $0x3  }
0x34: {  	[smem:$0x3FB8] =	sst s10  }
0x35: {  	s10 =	sld [smem:$0x3FB7];
	_ =	sdelay $0x3  }
0x36: {  	p1 =	seq.s32 s10, $0x1;
	s10 =	sld [smem:$0x3FB8];
	_ =	sdelay $0x3  }
0x37: {  	[smem:$0x3FB8] =	sst s10  }
0x38: {  	s10 =	sld [smem:$0x3FB9]  }
0x39: {  	_ = 	snop;
	(pc) =	sbr.ind lr, $3  }
0x3a: {  	_ = 	snop  }
0x3b: {  	_ = 	snop  }
0x3c: {  	p2 =	seq.s32 s10, $0x1;
	s10 =	sld [smem:$0x3FB8]  }
0x3d: {  	_ =	shalt  }
0x3e: {  	_ =	shalt  }
0x3f: {  	_ =	shalt  }
0x40: {  	_ =	shalt  }
0x41: {  	_ =	shalt  }
0x42: {  	_ =	shalt  }
0x43: {  	_ =	shalt  }
0x44: {  	_ =	shalt  }
0x45: {  	_ =	shalt  }
0x46: {  	_ =	shalt  }
0x47: {  	_ =	shalt  }
0x48: {  	_ =	shalt  }
0x49: {  	_ =	shalt  }
0x4a: {  	_ =	shalt  }
0x4b: {  	_ =	shalt  }
0x4c: {  	_ =	shalt  }
0x4d: {  	_ =	shalt  }
0x4e: {  	_ =	shalt  }
0x4f: {  	_ =	shalt  }
0x50: {  	_ =	shalt  }
0x51: {  	_ =	shalt  }
0x52: {  	_ =	shalt  }
0x53: {  	_ =	shalt  }
0x54: {  	_ =	shalt  }
0x55: {  	_ =	shalt  }
0x56: {  	_ =	shalt  }
0x57: {  	_ =	shalt  }
0x58: {  	_ =	shalt  }
0x59: {  	_ =	shalt  }
0x5a: {  	_ =	shalt  }
0x5b: {  	_ =	shalt  }
0x5c: {  	_ =	shalt  }
0x5d: {  	_ =	shalt  }
0x5e: {  	_ =	shalt  }
0x5f: {  	_ =	shalt  }
0x60: {  	_ =	shalt  }
0x61: {  	_ =	shalt  }
0x62: {  	_ =	shalt  }
0x63: {  	_ =	shalt  }
0x64: {  	_ =	shalt  }
0x65: {  	_ =	shalt  }
0x66: {  	_ =	shalt  }
0x67: {  	_ =	shalt  }
0x68: {  	_ =	shalt  }
0x69: {  	_ =	shalt  }
0x6a: {  	_ =	shalt  }
0x6b: {  	_ =	shalt  }
0x6c: {  	_ =	shalt  }
0x6d: {  	_ =	shalt  }
0x6e: {  	_ =	shalt  }
0x6f: {  	_ =	shalt  }
0x70: {  	_ =	shalt  }
0x71: {  	_ =	shalt  }
0x72: {  	_ =	shalt  }
0x73: {  	_ =	shalt  }
0x74: {  	_ =	shalt  }
0x75: {  	_ =	shalt  }
0x76: {  	_ =	shalt  }
0x77: {  	_ =	shalt  }
0x78: {  	_ =	shalt  }
0x79: {  	_ =	shalt  }
0x7a: {  	_ =	shalt  }
0x7b: {  	_ =	shalt  }
0x7c: {  	_ =	shalt  }
0x7d: {  	_ =	shalt  }
0x7e: {  	_ =	shalt  }
0x7f: {  	_ =	shalt  }
0x80: {  	_ =	shalt  }
0x81: {  	_ =	shalt  }
0x82: {  	_ =	shalt  }
0x83: {  	_ =	shalt  }
0x84: {  	_ =	shalt  }
0x85: {  	_ =	shalt  }
0x86: {  	_ =	shalt  }
0x87: {  	_ =	shalt  }
.Lfunc_end0:
.L_simem_size_0:
called_computation_lowered:
.L_overlay_start_0:
0x88: {  	s2 =	sld [smem:$0x3FD9]  }
0x89: {  	s3 =	sld [smem:$0x3FFE];
	_ =	sdelay $0x1  }
0x8a: {  	s1 =	srdreg.scid  }
0x8b: {  	s0 =	sand.u32 $0x1, s1  }
0x8c: {  	s17 =	sshll.u32 s0, $0xA;
	s2 =	sadd.s32 s3, s2  }
0x8d: {  	s2 =	sadd.s32 s2, s17  }
0x8e: {  	[smem:$0x3FC4] =	sst s2  }
0x8f: {  	_ = 	snop  }
0x90: {  	s2 =	sld [smem:$0x3FD0];
	(tm) =	ssettm $0x1  }
0x91: {  	s18 =	sld [smem:$0x3FFB];
	_ =	sdelay $0x3  }
0x92: {  	_ =	strace s18  }
0x93: {  	s3 =	sld [smem:$0x3FFC];
	_ =	sdelay $0x3  }
0x94: {  	_ =	strace s3  }
0x95: {  	s3 =	sld [smem:$0x3FFD];
	_ =	sdelay $0x3  }
0x96: {  	_ =	strace s3  }
0x97: {  	_ =	strace $0x8FFFFFFF  }
0x98: {  	s19 =	sld [smem:$0x3FDB];
	_ =	sdelay $0x1  }
0x99: {  	s4 =	simm.s32 $_scs_section_size  }
0x9a: {  	s5 =	simm.s32 $_size__tile_overlayer_lowered;
	s6 =	simm.s32 $_tile_overlayer_lowered  }
0x9b: {  	s22 =	simm.s32 $0x1BFF;
	s21 =	sshll.u32 s6, $0x1;
	s3 =	sadd.s32 s4, s19  }
0x9c: {  	s7 =	simm.s32 $0x0;
	s20 =	sshll.u32 s5, $0x1;
	s5 =	sadd.s32 s21, s3  }
0x9d: {  	[timem:s7], [sflag:s22] =	dma.local [hbm:s5], s20  }
0x9e: {  	_ =	swait.ge [sflag:s22], s20  }
0x9f: {  	s4 =	ssub.s32 $0x0, s20;
	[sflag:s22] =	ssyncset.done $0x0  }
0xa0: {  	[sflag:s22] =	ssyncadd.s32 s4;
	_ =	sdelay $0x1  }
0xa1: {  	s23 =	simm.s32 $0x1B8B  }
0xa2: {  	_ =	swait.ge [sflag:s23], $0x1  }
0xa3: {  	[sflag:s23] =	ssyncset.done $0x0  }
0xa4: {  	s25 =	simm.s32 $0x1B8E;
	s24 =	sld [smem:$0x3FFE];
	[sflag:s23] =	ssyncadd.s32 $0xFFFFFFFF  }
0xa5: {  	s26 =	simm.s32 $execute0_lowered;
	[smem:$0x3FD2] =	sst s25  }
0xa6: {  	s5 =	sshll.u32 s26, $0x1;
	_ =	strace $0x80000046;
	[dreg:$0x1] =	wrdreg $0xFFFFFFFF  }
0xa7: {  	s28 =	simm.s32 $_size_execute0_lowered;
	s3 =	sadd.s32 s3, s5;
	[dreg:$0x0] =	wrdreg $0x0  }
0xa8: {  	s5 =	sshll.u32 s28, $0x1;
	[dreg:$0x2] =	wrdreg s3  }
0xa9: {  	[dreg:$0x3] =	wrdreg s5  }
0xaa: {  	[dreg:$0x4] =	wrdreg $0xC0  }
0xab: {  	_ =	task [dreg:s7], $0x5FFFF  }
0xac: {  	[dreg:$0x1] =	wrdreg $0xFFFFFFFF  }
0xad: {  	[dreg:$0x0] =	wrdreg $0x60  }
0xae: {  	[dreg:$0x2] =	wrdreg s24  }
0xaf: {  	[dreg:$0x3] =	wrdreg s2  }
0xb0: {  	[dreg:$0x4] =	wrdreg $0x9  }
0xb1: {  	_ =	task.clear_ibuf [dreg:s7], $0x5FFFF;
	_ =	strace $0x90000046  }
0xb2: {  	s29 =	simm.s32 $0x9;
	_ =	strace $0x80000048  }
0xb3: {  	_ =	swait.ge [sflag:s29], $0x1  }
0xb4: {  	[sflag:s29] =	ssyncadd.s32 $0xFFFFFFFF  }
0xb5: {  	_ =	strace $0x90000048  }
0xb6: {  	_ =	sfence  }
0xb7: {  	s30 =	sld [smem:$0x0];
	_ =	sdelay $0x2  }
0xb8: {  	s31 =	sshll.u32 s1, $0xD;
	s1 =	sshrl.u32 s1, $0x2  }
0xb9: {  	s3 =	sand.u32 $0x4000, s31;
	s1 =	sadd.s32 s1, s30  }
0xba: {  	s0 =	sor.u32 s3, s0;
	s1 =	sshll.u32 s1, $0x11  }
0xbb: {  	s0 =	sor.u32 s1, s0  }
0xbc: {  	s0 =	sadd.s32 $0x8F2B, s0  }
0xbd: {  	[sflag:s0] =	ssyncadd.remote.s32 $0x1  }
0xbe: {  	_ =	sfence.sel $0xFFFF  }
0xbf: {  	[dreg:$0x0] =	wrdreg $0xFFFFFFFF;
	(pc) =	sbr.abs _section_cstart, $3  }
0xc0: {  	[dreg:$0x1] =	wrdreg $0xFFFFFFFF  }
0xc1: {  	_ =	task.clear_ibuf [dreg:s7], $0x2FFFF;
	_ =	strace $0x9FFFFFFF  }
0xc2: {  	(tm) =	ssettm $0x7FFFFFFF  }
0xc3: {  	_ =	shalt  }
tec
execute0_lowered:
.L_overlay_start_1:
0x0: {  	(tag) =	ssettag $0x1  }
0x1: {  	s4 =	rddreg [dreg:$0x0]  }
0x2: {  	s5 =	rddreg [dreg:$0x1]  }
0x3: {  	s0 =	rddreg [dreg:$0x2]  }
0x4: {  	s2 =	simm.s32 $0x0;
	s3 =	srdreg.scid;
	s1 =	stileid.u32  }
0x5: {  	s10 =	simm.s32 $0xA00;
	s11 =	simm.s32 $0x400;
	s12 =	simm.s32 $0x8000  }
0x6: {  	s13 =	simm.s32 $0x4880;
	s14 =	simm.s32 $0x1;
	s15 =	simm.s32 $0x0  }
0x7: {  	[smem:$0x7FF] =	sst s2;
	s3 =	sand.u32 $0x1, s3;
	s6 =	sshll.u32 s1, $0x1  }
0x8: {  	_ =	strace $0x80000047;
	s6 =	sor.u32 s3, s6;
	s7 =	ssub.s32 $0x2, s3  }
0x9: {  	s3 =	sadd.s32 $0x3000, s4;
	s8 =	sshll.u32 s6, $0x4;
	s9 =	sshrl.u32 s7, $0x1  }
0xa: {  	s6 =	sshll.u32 s6, $0x7;
	s4 =	sadd.s32 s8, s4;
	s7 =	ssub.s32 s7, s9  }
0xb: {  	s5 =	sadd.s32 s5, s6;
	s8 =	simm.s32 $0x1000;
	s9 =	simm.s32 $0x2  }
0xc: {  	s4 =	sadd.s32 $0x800, s4;
	s6 =	smax.u32 s7, $0x1;
	s7 =	simm.s32 $0x80  }
.LBB2_1:
0xd: {  	[tilespmem:s2], [sflag:$0x2] =	stream.strided.gather [hbm4b:s4+s7], $0xA00, s8, s7, $0x38;
	[tilespmem:$0xE880] =	vst v63  }
0xe: {  	_ =	swait.ge [sflag:s9], $0xA00  }
0xf: {  	[sflag:s9] =	ssyncset.done $0x0  }
0x10: {  	[sflag:s9] =	ssyncadd.s32 $0xFFFFF600  }
0x11: {  	[tilespmem:s10], [sflag:$0x2] =	stream.linear.gather [hbm4b:s3+s2], $0x3E80, $0x38;
	[tilespmem:$0xE880] =	vst v63  }
0x12: {  	_ =	swait.ge [sflag:s9], $0x3E80  }
0x13: {  	[sflag:s9] =	ssyncset.done $0x0  }
0x14: {  	s16 =	simm.s32 $0x4C80;
	s17 =	simm.s32 $0x0;
	[sflag:s9] =	ssyncadd.s32 $0xFFFFC180  }
.LBB2_2:
0x15: {  	s18 =	sshra.s32 s17, $0x2  }
0x16: {  	v0 =	vld [tilespmem:s18+$0x0];
	_ =	sdelay $0x4  }
0x17: {  	v0 =	vshll.u32 v0, $0x4;
	_ =	sdelay $0x4  }
0x18: {  	v1 =	vld.idx.msk [tilespmem:v0+s10+$0x0], $0xffff  }
0x19: {  	v2 =	vor.u32 $0x1, v0;
	_ =	sdelay $0x3  }
0x1a: {  	[tilespmem:s16+$0xFFFFFC00] =	vst v1  }
0x1b: {  	v1 =	vld.idx.msk [tilespmem:v2+s10+$0x0], $0xffff  }
0x1c: {  	v13 =	vor.u32 $0x2, v0;
	_ =	sdelay $0x3  }
0x1d: {  	[tilespmem:s16+$0xFFFFFC80] =	vst v1  }
0x1e: {  	v1 =	vld.idx.msk [tilespmem:v13+s10+$0x0], $0xffff  }
0x1f: {  	v14 =	vor.u32 $0x3, v0;
	_ =	sdelay $0x3  }
0x20: {  	[tilespmem:s16+$0xFFFFFD00] =	vst v1  }
0x21: {  	v1 =	vld.idx.msk [tilespmem:v14+s10+$0x0], $0xffff  }
0x22: {  	v15 =	vor.u32 $0x4, v0;
	_ =	sdelay $0x3  }
0x23: {  	[tilespmem:s16+$0xFFFFFD80] =	vst v1  }
0x24: {  	v1 =	vld.idx.msk [tilespmem:v15+s10+$0x0], $0xffff  }
0x25: {  	v16 =	vor.u32 $0x5, v0;
	_ =	sdelay $0x3  }
0x26: {  	[tilespmem:s16+$0xFFFFFE00] =	vst v1  }
0x27: {  	v1 =	vld.idx.msk [tilespmem:v16+s10+$0x0], $0xffff  }
0x28: {  	v17 =	vor.u32 $0x6, v0;
	_ =	sdelay $0x3  }
0x29: {  	[tilespmem:s16+$0xFFFFFE80] =	vst v1  }
0x2a: {  	v1 =	vld.idx.msk [tilespmem:v17+s10+$0x0], $0xffff  }
0x2b: {  	v18 =	vor.u32 $0x7, v0;
	_ =	sdelay $0x3  }
0x2c: {  	[tilespmem:s16+$0xFFFFFF00] =	vst v1  }
0x2d: {  	v1 =	vld.idx.msk [tilespmem:v18+s10+$0x0], $0xffff  }
0x2e: {  	v19 =	vor.u32 $0x8, v0;
	_ =	sdelay $0x3  }
0x2f: {  	[tilespmem:s16+$0xFFFFFF80] =	vst v1  }
0x30: {  	v1 =	vld.idx.msk [tilespmem:v19+s10+$0x0], $0xffff  }
0x31: {  	v20 =	vor.u32 $0x9, v0;
	_ =	sdelay $0x3  }
0x32: {  	[tilespmem:s16+$0x0] =	vst v1  }
0x33: {  	v1 =	vld.idx.msk [tilespmem:v20+s10+$0x0], $0xffff  }
0x34: {  	v21 =	vor.u32 $0xA, v0;
	_ =	sdelay $0x3  }
0x35: {  	[tilespmem:s16+$0x80] =	vst v1  }
0x36: {  	v1 =	vld.idx.msk [tilespmem:v21+s10+$0x0], $0xffff  }
0x37: {  	v22 =	vor.u32 $0xB, v0;
	_ =	sdelay $0x3  }
0x38: {  	[tilespmem:s16+$0x100] =	vst v1  }
0x39: {  	v1 =	vld.idx.msk [tilespmem:v22+s10+$0x0], $0xffff  }
0x3a: {  	v23 =	vor.u32 $0xC, v0;
	_ =	sdelay $0x3  }
0x3b: {  	[tilespmem:s16+$0x180] =	vst v1  }
0x3c: {  	v1 =	vld.idx.msk [tilespmem:v23+s10+$0x0], $0xffff  }
0x3d: {  	v24 =	vor.u32 $0xD, v0;
	_ =	sdelay $0x3  }
0x3e: {  	[tilespmem:s16+$0x200] =	vst v1  }
0x3f: {  	v1 =	vld.idx.msk [tilespmem:v24+s10+$0x0], $0xffff  }
0x40: {  	v25 =	vor.u32 $0xE, v0;
	_ =	sdelay $0x3  }
0x41: {  	[tilespmem:s16+$0x280] =	vst v1  }
0x42: {  	v1 =	vld.idx.msk [tilespmem:v25+s10+$0x0], $0xffff  }
0x43: {  	v0 =	vor.u32 $0xF, v0;
	_ =	sdelay $0x3  }
0x44: {  	[tilespmem:s16+$0x300] =	vst v1  }
0x45: {  	v0 =	vld.idx.msk [tilespmem:v0+s10+$0x0], $0xffff;
	_ =	sdelay $0x4  }
0x46: {  	[tilespmem:s16+$0x380] =	vst v0  }
0x47: {  	v0 =	vld [tilespmem:s18+$0x10];
	_ =	sdelay $0x4  }
0x48: {  	v0 =	vshll.u32 v0, $0x4;
	_ =	sdelay $0x4  }
0x49: {  	v1 =	vld.idx.msk [tilespmem:v0+s10+$0x0], $0xffff  }
0x4a: {  	v26 =	vor.u32 $0x1, v0;
	_ =	sdelay $0x3  }
0x4b: {  	[tilespmem:s16+$0xFFFFFC10] =	vst v1  }
0x4c: {  	v1 =	vld.idx.msk [tilespmem:v26+s10+$0x0], $0xffff  }
0x4d: {  	v27 =	vor.u32 $0x2, v0;
	_ =	sdelay $0x3  }
0x4e: {  	[tilespmem:s16+$0xFFFFFC90] =	vst v1  }
0x4f: {  	v1 =	vld.idx.msk [tilespmem:v27+s10+$0x0], $0xffff  }
0x50: {  	v28 =	vor.u32 $0x3, v0;
	_ =	sdelay $0x3  }
0x51: {  	[tilespmem:s16+$0xFFFFFD10] =	vst v1  }
0x52: {  	v1 =	vld.idx.msk [tilespmem:v28+s10+$0x0], $0xffff  }
0x53: {  	v29 =	vor.u32 $0x4, v0;
	_ =	sdelay $0x3  }
0x54: {  	[tilespmem:s16+$0xFFFFFD90] =	vst v1  }
0x55: {  	v1 =	vld.idx.msk [tilespmem:v29+s10+$0x0], $0xffff  }
0x56: {  	v30 =	vor.u32 $0x5, v0;
	_ =	sdelay $0x3  }
0x57: {  	[tilespmem:s16+$0xFFFFFE10] =	vst v1  }
0x58: {  	v1 =	vld.idx.msk [tilespmem:v30+s10+$0x0], $0xffff  }
0x59: {  	v31 =	vor.u32 $0x6, v0;
	_ =	sdelay $0x3  }
0x5a: {  	[tilespmem:s16+$0xFFFFFE90] =	vst v1  }
0x5b: {  	v1 =	vld.idx.msk [tilespmem:v31+s10+$0x0], $0xffff  }
0x5c: {  	v32 =	vor.u32 $0x7, v0;
	_ =	sdelay $0x3  }
0x5d: {  	[tilespmem:s16+$0xFFFFFF10] =	vst v1  }
0x5e: {  	v1 =	vld.idx.msk [tilespmem:v32+s10+$0x0], $0xffff  }
0x5f: {  	v33 =	vor.u32 $0x8, v0;
	_ =	sdelay $0x3  }
0x60: {  	[tilespmem:s16+$0xFFFFFF90] =	vst v1  }
0x61: {  	v1 =	vld.idx.msk [tilespmem:v33+s10+$0x0], $0xffff  }
0x62: {  	v34 =	vor.u32 $0x9, v0;
	_ =	sdelay $0x3  }
0x63: {  	[tilespmem:s16+$0x10] =	vst v1  }
0x64: {  	v1 =	vld.idx.msk [tilespmem:v34+s10+$0x0], $0xffff  }
0x65: {  	v35 =	vor.u32 $0xA, v0;
	_ =	sdelay $0x3  }
0x66: {  	[tilespmem:s16+$0x90] =	vst v1  }
0x67: {  	v1 =	vld.idx.msk [tilespmem:v35+s10+$0x0], $0xffff  }
0x68: {  	v36 =	vor.u32 $0xB, v0;
	_ =	sdelay $0x3  }
0x69: {  	[tilespmem:s16+$0x110] =	vst v1  }
0x6a: {  	v1 =	vld.idx.msk [tilespmem:v36+s10+$0x0], $0xffff  }
0x6b: {  	v37 =	vor.u32 $0xC, v0;
	_ =	sdelay $0x3  }
0x6c: {  	[tilespmem:s16+$0x190] =	vst v1  }
0x6d: {  	v1 =	vld.idx.msk [tilespmem:v37+s10+$0x0], $0xffff  }
0x6e: {  	v38 =	vor.u32 $0xD, v0;
	_ =	sdelay $0x3  }
0x6f: {  	[tilespmem:s16+$0x210] =	vst v1  }
0x70: {  	v1 =	vld.idx.msk [tilespmem:v38+s10+$0x0], $0xffff  }
0x71: {  	v39 =	vor.u32 $0xE, v0;
	_ =	sdelay $0x3  }
0x72: {  	[tilespmem:s16+$0x290] =	vst v1  }
0x73: {  	v1 =	vld.idx.msk [tilespmem:v39+s10+$0x0], $0xffff  }
0x74: {  	v0 =	vor.u32 $0xF, v0;
	_ =	sdelay $0x3  }
0x75: {  	[tilespmem:s16+$0x310] =	vst v1  }
0x76: {  	v0 =	vld.idx.msk [tilespmem:v0+s10+$0x0], $0xffff;
	_ =	sdelay $0x4  }
0x77: {  	[tilespmem:s16+$0x390] =	vst v0  }
0x78: {  	v0 =	vld [tilespmem:s18+$0x20];
	_ =	sdelay $0x4  }
0x79: {  	v0 =	vshll.u32 v0, $0x4;
	_ =	sdelay $0x4  }
0x7a: {  	v1 =	vld.idx.msk [tilespmem:v0+s10+$0x0], $0xffff  }
0x7b: {  	v40 =	vor.u32 $0x1, v0;
	_ =	sdelay $0x3  }
0x7c: {  	[tilespmem:s16+$0xFFFFFC20] =	vst v1  }
0x7d: {  	v1 =	vld.idx.msk [tilespmem:v40+s10+$0x0], $0xffff  }
0x7e: {  	v41 =	vor.u32 $0x2, v0;
	_ =	sdelay $0x3  }
0x7f: {  	[tilespmem:s16+$0xFFFFFCA0] =	vst v1  }
0x80: {  	v1 =	vld.idx.msk [tilespmem:v41+s10+$0x0], $0xffff  }
0x81: {  	v42 =	vor.u32 $0x3, v0;
	_ =	sdelay $0x3  }
0x82: {  	[tilespmem:s16+$0xFFFFFD20] =	vst v1  }
0x83: {  	v1 =	vld.idx.msk [tilespmem:v42+s10+$0x0], $0xffff  }
0x84: {  	v43 =	vor.u32 $0x4, v0;
	_ =	sdelay $0x3  }
0x85: {  	[tilespmem:s16+$0xFFFFFDA0] =	vst v1  }
0x86: {  	v1 =	vld.idx.msk [tilespmem:v43+s10+$0x0], $0xffff  }
0x87: {  	v44 =	vor.u32 $0x5, v0;
	_ =	sdelay $0x3  }
0x88: {  	[tilespmem:s16+$0xFFFFFE20] =	vst v1  }
0x89: {  	v1 =	vld.idx.msk [tilespmem:v44+s10+$0x0], $0xffff  }
0x8a: {  	v45 =	vor.u32 $0x6, v0;
	_ =	sdelay $0x3  }
0x8b: {  	[tilespmem:s16+$0xFFFFFEA0] =	vst v1  }
0x8c: {  	v1 =	vld.idx.msk [tilespmem:v45+s10+$0x0], $0xffff  }
0x8d: {  	v46 =	vor.u32 $0x7, v0;
	_ =	sdelay $0x3  }
0x8e: {  	[tilespmem:s16+$0xFFFFFF20] =	vst v1  }
0x8f: {  	v1 =	vld.idx.msk [tilespmem:v46+s10+$0x0], $0xffff  }
0x90: {  	v47 =	vor.u32 $0x8, v0;
	_ =	sdelay $0x3  }
0x91: {  	[tilespmem:s16+$0xFFFFFFA0] =	vst v1  }
0x92: {  	v1 =	vld.idx.msk [tilespmem:v47+s10+$0x0], $0xffff  }
0x93: {  	v48 =	vor.u32 $0x9, v0;
	_ =	sdelay $0x3  }
0x94: {  	[tilespmem:s16+$0x20] =	vst v1  }
0x95: {  	v1 =	vld.idx.msk [tilespmem:v48+s10+$0x0], $0xffff  }
0x96: {  	v49 =	vor.u32 $0xA, v0;
	_ =	sdelay $0x3  }
0x97: {  	[tilespmem:s16+$0xA0] =	vst v1  }
0x98: {  	v1 =	vld.idx.msk [tilespmem:v49+s10+$0x0], $0xffff  }
0x99: {  	v50 =	vor.u32 $0xB, v0;
	_ =	sdelay $0x3  }
0x9a: {  	[tilespmem:s16+$0x120] =	vst v1  }
0x9b: {  	v1 =	vld.idx.msk [tilespmem:v50+s10+$0x0], $0xffff  }
0x9c: {  	v51 =	vor.u32 $0xC, v0;
	_ =	sdelay $0x3  }
0x9d: {  	[tilespmem:s16+$0x1A0] =	vst v1  }
0x9e: {  	v1 =	vld.idx.msk [tilespmem:v51+s10+$0x0], $0xffff  }
0x9f: {  	v52 =	vor.u32 $0xD, v0;
	_ =	sdelay $0x3  }
0xa0: {  	[tilespmem:s16+$0x220] =	vst v1  }
0xa1: {  	v1 =	vld.idx.msk [tilespmem:v52+s10+$0x0], $0xffff  }
0xa2: {  	v53 =	vor.u32 $0xE, v0;
	_ =	sdelay $0x3  }
0xa3: {  	[tilespmem:s16+$0x2A0] =	vst v1  }
0xa4: {  	v1 =	vld.idx.msk [tilespmem:v53+s10+$0x0], $0xffff  }
0xa5: {  	v0 =	vor.u32 $0xF, v0;
	_ =	sdelay $0x3  }
0xa6: {  	[tilespmem:s16+$0x320] =	vst v1  }
0xa7: {  	v0 =	vld.idx.msk [tilespmem:v0+s10+$0x0], $0xffff;
	_ =	sdelay $0x4  }
0xa8: {  	[tilespmem:s16+$0x3A0] =	vst v0  }
0xa9: {  	v0 =	vld [tilespmem:s18+$0x30];
	_ =	sdelay $0x4  }
0xaa: {  	v0 =	vshll.u32 v0, $0x4;
	_ =	sdelay $0x4  }
0xab: {  	v1 =	vld.idx.msk [tilespmem:v0+s10+$0x0], $0xffff  }
0xac: {  	v54 =	vor.u32 $0x1, v0;
	_ =	sdelay $0x3  }
0xad: {  	[tilespmem:s16+$0xFFFFFC30] =	vst v1  }
0xae: {  	v1 =	vld.idx.msk [tilespmem:v54+s10+$0x0], $0xffff  }
0xaf: {  	v55 =	vor.u32 $0x2, v0;
	_ =	sdelay $0x3  }
0xb0: {  	[tilespmem:s16+$0xFFFFFCB0] =	vst v1  }
0xb1: {  	v1 =	vld.idx.msk [tilespmem:v55+s10+$0x0], $0xffff  }
0xb2: {  	v56 =	vor.u32 $0x3, v0;
	_ =	sdelay $0x3  }
0xb3: {  	[tilespmem:s16+$0xFFFFFD30] =	vst v1  }
0xb4: {  	v1 =	vld.idx.msk [tilespmem:v56+s10+$0x0], $0xffff  }
0xb5: {  	v57 =	vor.u32 $0x4, v0;
	_ =	sdelay $0x3  }
0xb6: {  	[tilespmem:s16+$0xFFFFFDB0] =	vst v1  }
0xb7: {  	v1 =	vld.idx.msk [tilespmem:v57+s10+$0x0], $0xffff  }
0xb8: {  	v58 =	vor.u32 $0x5, v0;
	_ =	sdelay $0x3  }
0xb9: {  	[tilespmem:s16+$0xFFFFFE30] =	vst v1  }
0xba: {  	v1 =	vld.idx.msk [tilespmem:v58+s10+$0x0], $0xffff  }
0xbb: {  	v59 =	vor.u32 $0x6, v0;
	_ =	sdelay $0x3  }
0xbc: {  	[tilespmem:s16+$0xFFFFFEB0] =	vst v1  }
0xbd: {  	v1 =	vld.idx.msk [tilespmem:v59+s10+$0x0], $0xffff  }
0xbe: {  	v60 =	vor.u32 $0x7, v0;
	_ =	sdelay $0x3  }
0xbf: {  	[tilespmem:s16+$0xFFFFFF30] =	vst v1  }
0xc0: {  	v1 =	vld.idx.msk [tilespmem:v60+s10+$0x0], $0xffff  }
0xc1: {  	v61 =	vor.u32 $0x8, v0;
	_ =	sdelay $0x3  }
0xc2: {  	[tilespmem:s16+$0xFFFFFFB0] =	vst v1  }
0xc3: {  	v1 =	vld.idx.msk [tilespmem:v61+s10+$0x0], $0xffff  }
0xc4: {  	v62 =	vor.u32 $0x9, v0;
	_ =	sdelay $0x3  }
0xc5: {  	[tilespmem:s16+$0x30] =	vst v1  }
0xc6: {  	v1 =	vld.idx.msk [tilespmem:v62+s10+$0x0], $0xffff  }
0xc7: {  	v63 =	vor.u32 $0xA, v0;
	_ =	sdelay $0x3  }
0xc8: {  	[tilespmem:s16+$0xB0] =	vst v1  }
0xc9: {  	v1 =	vld.idx.msk [tilespmem:v63+s10+$0x0], $0xffff  }
0xca: {  	v4 =	vor.u32 $0xB, v0;
	_ =	sdelay $0x3  }
0xcb: {  	[tilespmem:s16+$0x130] =	vst v1  }
0xcc: {  	v1 =	vld.idx.msk [tilespmem:v4+s10+$0x0], $0xffff  }
0xcd: {  	v5 =	vor.u32 $0xC, v0;
	_ =	sdelay $0x3  }
0xce: {  	[tilespmem:s16+$0x1B0] =	vst v1  }
0xcf: {  	v1 =	vld.idx.msk [tilespmem:v5+s10+$0x0], $0xffff  }
0xd0: {  	v6 =	vor.u32 $0xD, v0;
	_ =	sdelay $0x3  }
0xd1: {  	[tilespmem:s16+$0x230] =	vst v1  }
0xd2: {  	v1 =	vld.idx.msk [tilespmem:v6+s10+$0x0], $0xffff  }
0xd3: {  	v7 =	vor.u32 $0xE, v0;
	_ =	sdelay $0x3  }
0xd4: {  	[tilespmem:s16+$0x2B0] =	vst v1  }
0xd5: {  	v1 =	vld.idx.msk [tilespmem:v7+s10+$0x0], $0xffff  }
0xd6: {  	v0 =	vor.u32 $0xF, v0;
	_ =	sdelay $0x3  }
0xd7: {  	[tilespmem:s16+$0x330] =	vst v1  }
0xd8: {  	v0 =	vld.idx.msk [tilespmem:v0+s10+$0x0], $0xffff;
	_ =	sdelay $0x4  }
0xd9: {  	[tilespmem:s16+$0x3B0] =	vst v0  }
0xda: {  	v0 =	vld [tilespmem:s18+$0x40];
	_ =	sdelay $0x4  }
0xdb: {  	v0 =	vshll.u32 v0, $0x4;
	_ =	sdelay $0x4  }
0xdc: {  	v1 =	vld.idx.msk [tilespmem:v0+s10+$0x0], $0xffff  }
0xdd: {  	v8 =	vor.u32 $0x1, v0;
	_ =	sdelay $0x3  }
0xde: {  	[tilespmem:s16+$0xFFFFFC40] =	vst v1  }
0xdf: {  	v1 =	vld.idx.msk [tilespmem:v8+s10+$0x0], $0xffff  }
0xe0: {  	v9 =	vor.u32 $0x2, v0;
	_ =	sdelay $0x3  }
0xe1: {  	[tilespmem:s16+$0xFFFFFCC0] =	vst v1  }
0xe2: {  	v1 =	vld.idx.msk [tilespmem:v9+s10+$0x0], $0xffff  }
0xe3: {  	v10 =	vor.u32 $0x3, v0;
	_ =	sdelay $0x3  }
0xe4: {  	[tilespmem:s16+$0xFFFFFD40] =	vst v1  }
0xe5: {  	v1 =	vld.idx.msk [tilespmem:v10+s10+$0x0], $0xffff  }
0xe6: {  	v11 =	vor.u32 $0x4, v0;
	_ =	sdelay $0x3  }
0xe7: {  	[tilespmem:s16+$0xFFFFFDC0] =	vst v1  }
0xe8: {  	v1 =	vld.idx.msk [tilespmem:v11+s10+$0x0], $0xffff  }
0xe9: {  	v12 =	vor.u32 $0x5, v0;
	_ =	sdelay $0x3  }
0xea: {  	[tilespmem:s16+$0xFFFFFE40] =	vst v1  }
0xeb: {  	v1 =	vld.idx.msk [tilespmem:v12+s10+$0x0], $0xffff  }
0xec: {  	v13 =	vor.u32 $0x6, v0;
	_ =	sdelay $0x3  }
0xed: {  	[tilespmem:s16+$0xFFFFFEC0] =	vst v1  }
0xee: {  	v1 =	vld.idx.msk [tilespmem:v13+s10+$0x0], $0xffff  }
0xef: {  	v14 =	vor.u32 $0x7, v0;
	_ =	sdelay $0x3  }
0xf0: {  	[tilespmem:s16+$0xFFFFFF40] =	vst v1  }
0xf1: {  	v1 =	vld.idx.msk [tilespmem:v14+s10+$0x0], $0xffff  }
0xf2: {  	v15 =	vor.u32 $0x8, v0;
	_ =	sdelay $0x3  }
0xf3: {  	[tilespmem:s16+$0xFFFFFFC0] =	vst v1  }
0xf4: {  	v1 =	vld.idx.msk [tilespmem:v15+s10+$0x0], $0xffff  }
0xf5: {  	v16 =	vor.u32 $0x9, v0;
	_ =	sdelay $0x3  }
0xf6: {  	[tilespmem:s16+$0x40] =	vst v1  }
0xf7: {  	v1 =	vld.idx.msk [tilespmem:v16+s10+$0x0], $0xffff  }
0xf8: {  	v17 =	vor.u32 $0xA, v0;
	_ =	sdelay $0x3  }
0xf9: {  	[tilespmem:s16+$0xC0] =	vst v1  }
0xfa: {  	v1 =	vld.idx.msk [tilespmem:v17+s10+$0x0], $0xffff  }
0xfb: {  	v18 =	vor.u32 $0xB, v0;
	_ =	sdelay $0x3  }
0xfc: {  	[tilespmem:s16+$0x140] =	vst v1  }
0xfd: {  	v1 =	vld.idx.msk [tilespmem:v18+s10+$0x0], $0xffff  }
0xfe: {  	v19 =	vor.u32 $0xC, v0;
	_ =	sdelay $0x3  }
0xff: {  	[tilespmem:s16+$0x1C0] =	vst v1  }
0x100: {  	v1 =	vld.idx.msk [tilespmem:v19+s10+$0x0], $0xffff  }
0x101: {  	v20 =	vor.u32 $0xD, v0;
	_ =	sdelay $0x3  }
0x102: {  	[tilespmem:s16+$0x240] =	vst v1  }
0x103: {  	v1 =	vld.idx.msk [tilespmem:v20+s10+$0x0], $0xffff  }
0x104: {  	v21 =	vor.u32 $0xE, v0;
	_ =	sdelay $0x3  }
0x105: {  	[tilespmem:s16+$0x2C0] =	vst v1  }
0x106: {  	v1 =	vld.idx.msk [tilespmem:v21+s10+$0x0], $0xffff  }
0x107: {  	v0 =	vor.u32 $0xF, v0;
	_ =	sdelay $0x3  }
0x108: {  	[tilespmem:s16+$0x340] =	vst v1  }
0x109: {  	v0 =	vld.idx.msk [tilespmem:v0+s10+$0x0], $0xffff;
	_ =	sdelay $0x4  }
0x10a: {  	[tilespmem:s16+$0x3C0] =	vst v0  }
0x10b: {  	v0 =	vld [tilespmem:s18+$0x50];
	_ =	sdelay $0x4  }
0x10c: {  	v0 =	vshll.u32 v0, $0x4;
	_ =	sdelay $0x4  }
0x10d: {  	v1 =	vld.idx.msk [tilespmem:v0+s10+$0x0], $0xffff  }
0x10e: {  	v22 =	vor.u32 $0x1, v0;
	_ =	sdelay $0x3  }
0x10f: {  	[tilespmem:s16+$0xFFFFFC50] =	vst v1  }
0x110: {  	v1 =	vld.idx.msk [tilespmem:v22+s10+$0x0], $0xffff  }
0x111: {  	v23 =	vor.u32 $0x2, v0;
	_ =	sdelay $0x3  }
0x112: {  	[tilespmem:s16+$0xFFFFFCD0] =	vst v1  }
0x113: {  	v1 =	vld.idx.msk [tilespmem:v23+s10+$0x0], $0xffff  }
0x114: {  	v24 =	vor.u32 $0x3, v0;
	_ =	sdelay $0x3  }
0x115: {  	[tilespmem:s16+$0xFFFFFD50] =	vst v1  }
0x116: {  	v1 =	vld.idx.msk [tilespmem:v24+s10+$0x0], $0xffff  }
0x117: {  	v25 =	vor.u32 $0x4, v0;
	_ =	sdelay $0x3  }
0x118: {  	[tilespmem:s16+$0xFFFFFDD0] =	vst v1  }
0x119: {  	v1 =	vld.idx.msk [tilespmem:v25+s10+$0x0], $0xffff  }
0x11a: {  	v26 =	vor.u32 $0x5, v0;
	_ =	sdelay $0x3  }
0x11b: {  	[tilespmem:s16+$0xFFFFFE50] =	vst v1  }
0x11c: {  	v1 =	vld.idx.msk [tilespmem:v26+s10+$0x0], $0xffff  }
0x11d: {  	v27 =	vor.u32 $0x6, v0;
	_ =	sdelay $0x3  }
0x11e: {  	[tilespmem:s16+$0xFFFFFED0] =	vst v1  }
0x11f: {  	v1 =	vld.idx.msk [tilespmem:v27+s10+$0x0], $0xffff  }
0x120: {  	v28 =	vor.u32 $0x7, v0;
	_ =	sdelay $0x3  }
0x121: {  	[tilespmem:s16+$0xFFFFFF50] =	vst v1  }
0x122: {  	v1 =	vld.idx.msk [tilespmem:v28+s10+$0x0], $0xffff  }
0x123: {  	v29 =	vor.u32 $0x8, v0;
	_ =	sdelay $0x3  }
0x124: {  	[tilespmem:s16+$0xFFFFFFD0] =	vst v1  }
0x125: {  	v1 =	vld.idx.msk [tilespmem:v29+s10+$0x0], $0xffff  }
0x126: {  	v30 =	vor.u32 $0x9, v0;
	_ =	sdelay $0x3  }
0x127: {  	[tilespmem:s16+$0x50] =	vst v1  }
0x128: {  	v1 =	vld.idx.msk [tilespmem:v30+s10+$0x0], $0xffff  }
0x129: {  	v31 =	vor.u32 $0xA, v0;
	_ =	sdelay $0x3  }
0x12a: {  	[tilespmem:s16+$0xD0] =	vst v1  }
0x12b: {  	v1 =	vld.idx.msk [tilespmem:v31+s10+$0x0], $0xffff  }
0x12c: {  	v32 =	vor.u32 $0xB, v0;
	_ =	sdelay $0x3  }
0x12d: {  	[tilespmem:s16+$0x150] =	vst v1  }
0x12e: {  	v1 =	vld.idx.msk [tilespmem:v32+s10+$0x0], $0xffff  }
0x12f: {  	v33 =	vor.u32 $0xC, v0;
	_ =	sdelay $0x3  }
0x130: {  	[tilespmem:s16+$0x1D0] =	vst v1  }
0x131: {  	v1 =	vld.idx.msk [tilespmem:v33+s10+$0x0], $0xffff  }
0x132: {  	v34 =	vor.u32 $0xD, v0;
	_ =	sdelay $0x3  }
0x133: {  	[tilespmem:s16+$0x250] =	vst v1  }
0x134: {  	v1 =	vld.idx.msk [tilespmem:v34+s10+$0x0], $0xffff  }
0x135: {  	v35 =	vor.u32 $0xE, v0;
	_ =	sdelay $0x3  }
0x136: {  	[tilespmem:s16+$0x2D0] =	vst v1  }
0x137: {  	v1 =	vld.idx.msk [tilespmem:v35+s10+$0x0], $0xffff  }
0x138: {  	v0 =	vor.u32 $0xF, v0;
	_ =	sdelay $0x3  }
0x139: {  	[tilespmem:s16+$0x350] =	vst v1  }
0x13a: {  	v0 =	vld.idx.msk [tilespmem:v0+s10+$0x0], $0xffff;
	_ =	sdelay $0x4  }
0x13b: {  	[tilespmem:s16+$0x3D0] =	vst v0  }
0x13c: {  	v0 =	vld [tilespmem:s18+$0x60];
	_ =	sdelay $0x4  }
0x13d: {  	v0 =	vshll.u32 v0, $0x4;
	_ =	sdelay $0x4  }
0x13e: {  	v1 =	vld.idx.msk [tilespmem:v0+s10+$0x0], $0xffff  }
0x13f: {  	v36 =	vor.u32 $0x1, v0;
	_ =	sdelay $0x3  }
0x140: {  	[tilespmem:s16+$0xFFFFFC60] =	vst v1  }
0x141: {  	v1 =	vld.idx.msk [tilespmem:v36+s10+$0x0], $0xffff  }
0x142: {  	v37 =	vor.u32 $0x2, v0;
	_ =	sdelay $0x3  }
0x143: {  	[tilespmem:s16+$0xFFFFFCE0] =	vst v1  }
0x144: {  	v1 =	vld.idx.msk [tilespmem:v37+s10+$0x0], $0xffff  }
0x145: {  	v38 =	vor.u32 $0x3, v0;
	_ =	sdelay $0x3  }
0x146: {  	[tilespmem:s16+$0xFFFFFD60] =	vst v1  }
0x147: {  	v1 =	vld.idx.msk [tilespmem:v38+s10+$0x0], $0xffff  }
0x148: {  	v39 =	vor.u32 $0x4, v0;
	_ =	sdelay $0x3  }
0x149: {  	[tilespmem:s16+$0xFFFFFDE0] =	vst v1  }
0x14a: {  	v1 =	vld.idx.msk [tilespmem:v39+s10+$0x0], $0xffff  }
0x14b: {  	v40 =	vor.u32 $0x5, v0;
	_ =	sdelay $0x3  }
0x14c: {  	[tilespmem:s16+$0xFFFFFE60] =	vst v1  }
0x14d: {  	v1 =	vld.idx.msk [tilespmem:v40+s10+$0x0], $0xffff  }
0x14e: {  	v41 =	vor.u32 $0x6, v0;
	_ =	sdelay $0x3  }
0x14f: {  	[tilespmem:s16+$0xFFFFFEE0] =	vst v1  }
0x150: {  	v1 =	vld.idx.msk [tilespmem:v41+s10+$0x0], $0xffff  }
0x151: {  	v42 =	vor.u32 $0x7, v0;
	_ =	sdelay $0x3  }
0x152: {  	[tilespmem:s16+$0xFFFFFF60] =	vst v1  }
0x153: {  	v1 =	vld.idx.msk [tilespmem:v42+s10+$0x0], $0xffff  }
0x154: {  	v43 =	vor.u32 $0x8, v0;
	_ =	sdelay $0x3  }
0x155: {  	[tilespmem:s16+$0xFFFFFFE0] =	vst v1  }
0x156: {  	v1 =	vld.idx.msk [tilespmem:v43+s10+$0x0], $0xffff  }
0x157: {  	v44 =	vor.u32 $0x9, v0;
	_ =	sdelay $0x3  }
0x158: {  	[tilespmem:s16+$0x60] =	vst v1  }
0x159: {  	v1 =	vld.idx.msk [tilespmem:v44+s10+$0x0], $0xffff  }
0x15a: {  	v45 =	vor.u32 $0xA, v0;
	_ =	sdelay $0x3  }
0x15b: {  	[tilespmem:s16+$0xE0] =	vst v1  }
0x15c: {  	v1 =	vld.idx.msk [tilespmem:v45+s10+$0x0], $0xffff  }
0x15d: {  	v46 =	vor.u32 $0xB, v0;
	_ =	sdelay $0x3  }
0x15e: {  	[tilespmem:s16+$0x160] =	vst v1  }
0x15f: {  	v1 =	vld.idx.msk [tilespmem:v46+s10+$0x0], $0xffff  }
0x160: {  	v47 =	vor.u32 $0xC, v0;
	_ =	sdelay $0x3  }
0x161: {  	[tilespmem:s16+$0x1E0] =	vst v1  }
0x162: {  	v1 =	vld.idx.msk [tilespmem:v47+s10+$0x0], $0xffff  }
0x163: {  	v48 =	vor.u32 $0xD, v0;
	_ =	sdelay $0x3  }
0x164: {  	[tilespmem:s16+$0x260] =	vst v1  }
0x165: {  	v1 =	vld.idx.msk [tilespmem:v48+s10+$0x0], $0xffff  }
0x166: {  	v49 =	vor.u32 $0xE, v0;
	_ =	sdelay $0x3  }
0x167: {  	[tilespmem:s16+$0x2E0] =	vst v1  }
0x168: {  	v1 =	vld.idx.msk [tilespmem:v49+s10+$0x0], $0xffff  }
0x169: {  	v0 =	vor.u32 $0xF, v0;
	_ =	sdelay $0x3  }
0x16a: {  	[tilespmem:s16+$0x360] =	vst v1  }
0x16b: {  	v0 =	vld.idx.msk [tilespmem:v0+s10+$0x0], $0xffff;
	_ =	sdelay $0x4  }
0x16c: {  	[tilespmem:s16+$0x3E0] =	vst v0  }
0x16d: {  	v0 =	vld [tilespmem:s18+$0x70];
	_ =	sdelay $0x4  }
0x16e: {  	v0 =	vshll.u32 v0, $0x4;
	_ =	sdelay $0x4  }
0x16f: {  	v1 =	vld.idx.msk [tilespmem:v0+s10+$0x0], $0xffff  }
0x170: {  	v50 =	vor.u32 $0x1, v0;
	_ =	sdelay $0x3  }
0x171: {  	[tilespmem:s16+$0xFFFFFC70] =	vst v1  }
0x172: {  	v1 =	vld.idx.msk [tilespmem:v50+s10+$0x0], $0xffff  }
0x173: {  	v51 =	vor.u32 $0x2, v0;
	_ =	sdelay $0x3  }
0x174: {  	[tilespmem:s16+$0xFFFFFCF0] =	vst v1  }
0x175: {  	v1 =	vld.idx.msk [tilespmem:v51+s10+$0x0], $0xffff  }
0x176: {  	v52 =	vor.u32 $0x3, v0;
	_ =	sdelay $0x3  }
0x177: {  	[tilespmem:s16+$0xFFFFFD70] =	vst v1  }
0x178: {  	v1 =	vld.idx.msk [tilespmem:v52+s10+$0x0], $0xffff  }
0x179: {  	v53 =	vor.u32 $0x4, v0;
	_ =	sdelay $0x3  }
0x17a: {  	[tilespmem:s16+$0xFFFFFDF0] =	vst v1  }
0x17b: {  	v1 =	vld.idx.msk [tilespmem:v53+s10+$0x0], $0xffff  }
0x17c: {  	v54 =	vor.u32 $0x5, v0;
	_ =	sdelay $0x3  }
0x17d: {  	[tilespmem:s16+$0xFFFFFE70] =	vst v1  }
0x17e: {  	v1 =	vld.idx.msk [tilespmem:v54+s10+$0x0], $0xffff  }
0x17f: {  	v55 =	vor.u32 $0x6, v0;
	_ =	sdelay $0x3  }
0x180: {  	[tilespmem:s16+$0xFFFFFEF0] =	vst v1  }
0x181: {  	v1 =	vld.idx.msk [tilespmem:v55+s10+$0x0], $0xffff  }
0x182: {  	v56 =	vor.u32 $0x7, v0;
	_ =	sdelay $0x3  }
0x183: {  	[tilespmem:s16+$0xFFFFFF70] =	vst v1  }
0x184: {  	v1 =	vld.idx.msk [tilespmem:v56+s10+$0x0], $0xffff  }
0x185: {  	v57 =	vor.u32 $0x8, v0;
	_ =	sdelay $0x3  }
0x186: {  	[tilespmem:s16+$0xFFFFFFF0] =	vst v1  }
0x187: {  	v1 =	vld.idx.msk [tilespmem:v57+s10+$0x0], $0xffff  }
0x188: {  	v58 =	vor.u32 $0x9, v0;
	_ =	sdelay $0x3  }
0x189: {  	[tilespmem:s16+$0x70] =	vst v1  }
0x18a: {  	v1 =	vld.idx.msk [tilespmem:v58+s10+$0x0], $0xffff  }
0x18b: {  	v59 =	vor.u32 $0xA, v0;
	_ =	sdelay $0x3  }
0x18c: {  	[tilespmem:s16+$0xF0] =	vst v1  }
0x18d: {  	v1 =	vld.idx.msk [tilespmem:v59+s10+$0x0], $0xffff  }
0x18e: {  	v60 =	vor.u32 $0xB, v0;
	_ =	sdelay $0x3  }
0x18f: {  	[tilespmem:s16+$0x170] =	vst v1  }
0x190: {  	v1 =	vld.idx.msk [tilespmem:v60+s10+$0x0], $0xffff  }
0x191: {  	v61 =	vor.u32 $0xC, v0;
	_ =	sdelay $0x3  }
0x192: {  	[tilespmem:s16+$0x1F0] =	vst v1  }
0x193: {  	v1 =	vld.idx.msk [tilespmem:v61+s10+$0x0], $0xffff  }
0x194: {  	v62 =	vor.u32 $0xD, v0;
	_ =	sdelay $0x3  }
0x195: {  	[tilespmem:s16+$0x270] =	vst v1  }
0x196: {  	v1 =	vld.idx.msk [tilespmem:v62+s10+$0x0], $0xffff  }
0x197: {  	v63 =	vor.u32 $0xE, v0;
	_ =	sdelay $0x3  }
0x198: {  	[tilespmem:s16+$0x2F0] =	vst v1  }
0x199: {  	v1 =	vld.idx.msk [tilespmem:v63+s10+$0x0], $0xffff  }
0x19a: {  	v0 =	vor.u32 $0xF, v0;
	_ =	sdelay $0x3  }
0x19b: {  	[tilespmem:s16+$0x370] =	vst v1  }
0x19c: {  	p0 =	sne.s32 s17, $0x2600;
	v0 =	vld.idx.msk [tilespmem:v0+s10+$0x0], $0xffff  }
.Ltmp0:
0x19d: {  	_ = 	snop;
	(pc) =	sbr.rel @p0 .LBB2_2-.Ltmp0, $2  }
0x19e: {  	_ =	sdelay $0x2  }
0x19f: {  	s17 =	sadd.s32 $0x200, s17;
	[tilespmem:s16+$0x3F0] =	vst v0;
	s16 =	sadd.s32 $0x800, s16  }
0x1a0: {  	s15 =	sadd.s32 $0x1, s15  }
0x1a1: {  	p0 =	sne.s32 s15, s6  }
.Ltmp1:
0x1a2: {  	_ = 	snop;
	(pc) =	sbr.rel @p0 .LBB2_1-.Ltmp1, $4  }
0x1a3: {  	[hbm4b:s5+s11] =	stream.strided.scatter [tilespmem:s13], [sflag:$0x1], $0xA000, s12, s11, $0x38;
	[tilespmem:$0xE880] =	vst v63  }
0x1a4: {  	_ =	swait.ge [sflag:s14], $0xA000  }
0x1a5: {  	[sflag:s14] =	ssyncset.done $0x0  }
0x1a6: {  	[sflag:s14] =	ssyncadd.s32 $0xFFFF6000  }
0x1a7: {  	_ =	sfence.sel $0x180000  }
0x1a8: {  	[bflag:$0x0] =	sbarrier.arrive $0xFFFF  }
0x1a9: {  	p0 =	sne.s32 s1, $0x0;
	_ =	strace $0x90000047  }
0x1aa: {  	s0 =	sadd.s32 @!p0 $0x100000, s0;
	[bflag:$0x2] =	sbarrier.arrive $0xFFFF  }
0x1ab: {  	[sflag:s0] =	ssyncadd.tile.s32 @!p0 $0x1;
	_ =	shalt  }
.Lfunc_end2:
_tile_overlayer_lowered:
.L_overlay_start_2:
0x1ac: {  	(tag) =	ssettag $0x2  }
0x1ad: {  	s0 =	rddreg [dreg:$0x0];
	s2 =	stileid.u32  }
0x1ae: {  	s1 =	rddreg [dreg:$0x1];
	p0 =	sne.s32 s2, $0x0  }
0x1af: {  	s3 =	rddreg [dreg:$0x2];
	[bflag:$0x3] =	sbarrier.arrive $0xFFFF;
	s2 =	simm.s32 @!p0 $0x1C02  }
0x1b0: {  	[timem:s3], [sflag:s2] =	dma.local @!p0 [hbm:s0], s1  }
0x1b1: {  	s0 =	simm.s32 @!p0 $0x2  }
0x1b2: {  	_ =	swait.ge @!p0 [sflag:s0], s1  }
0x1b3: {  	s1 =	ssub.s32 @!p0 $0x0, s1;
	[sflag:s0] =	ssyncset.done @!p0 $0x0  }
0x1b4: {  	[sflag:s0] =	ssyncadd.s32 @!p0 s1  }
0x1b5: {  	[bflag:$0x3] =	sbarrier.arrive $0xFFFF  }
0x1b6: {  	_ =	shalt  }

</sc_bundles>
